<compile_context>
chip_gen: v7x
topology: tpu7x:2x2x1
jax: 0.10.2.dev20260603
libtpu: 0.0.44.dev20260713+nightly
codegen_flags: <defaults>
</compile_context>

<pallas_src>
import functools

import jax
import jax.numpy as jnp
from jax.experimental import pallas as pl
from jax.experimental.pallas import tpu as pltpu
from jax.experimental.pallas import tpu_sc as _plsc



def _block_body(seq_ref, kb, nk, vb, nv, ok, ov, *, tnb):
    i = pl.program_id(0)
    bc = ok.shape[0]
    seq_b = seq_ref[0] // bc
    in_new = (i >= seq_b) & (i < seq_b + tnb)

    @pl.when(in_new)
    def _():
        ok[...] = nk[...]
        ov[...] = nv[...]

    @pl.when(jnp.logical_not(in_new))
    def _():
        ok[...] = kb[...]
        ov[...] = vb[...]


def _fast_kernel(kb, vb, nk, nv, seq, *, bc):
    C, G, D = kb.shape
    T = nk.shape[0]
    nb = C // bc
    tnb = T // bc

    def buf_map(i, s):
        seq_b = s[0] // bc
        hi_b = seq_b + tnb
        interior = jnp.maximum(seq_b - 1, 0)
        return (jnp.where((i < seq_b) | (i >= hi_b), i, interior), 0, 0)

    def new_map(i, s):
        seq_b = s[0] // bc
        return (jnp.clip(i - seq_b, 0, tnb - 1), 0, 0)

    grid_spec = pltpu.PrefetchScalarGridSpec(
        num_scalar_prefetch=1,
        grid=(nb,),
        in_specs=[
            pl.BlockSpec((bc, G, D), buf_map),
            pl.BlockSpec((bc, G, D), new_map),
            pl.BlockSpec((bc, G, D), buf_map),
            pl.BlockSpec((bc, G, D), new_map),
        ],
        out_specs=[
            pl.BlockSpec((bc, G, D), lambda i, s: (i, 0, 0)),
            pl.BlockSpec((bc, G, D), lambda i, s: (i, 0, 0)),
        ],
    )

    return list(pl.pallas_call(
        functools.partial(_block_body, tnb=tnb),
        grid_spec=grid_spec,
        out_shape=[
            jax.ShapeDtypeStruct((C, G, D), kb.dtype),
            jax.ShapeDtypeStruct((C, G, D), vb.dtype),
        ],
        compiler_params=pltpu.CompilerParams(
            dimension_semantics=("arbitrary",),
        ),
    )(seq, kb, nk, vb, nv))



_SC_RING = 7
_SC_CH = 4



def _block_body1(seq_ref, kb, nk, ok, *, tnb):
    i = pl.program_id(0)
    bc = ok.shape[0]
    seq_b = seq_ref[0] // bc
    in_new = (i >= seq_b) & (i < seq_b + tnb)

    @pl.when(in_new)
    def _():
        ok[...] = nk[...]

    @pl.when(jnp.logical_not(in_new))
    def _():
        ok[...] = kb[...]


def _tc_fast_one(kb, nk, seq, *, bc):
    C, G, D = kb.shape
    T = nk.shape[0]
    nb = C // bc
    tnb = T // bc

    def buf_map(i, s):
        seq_b = s[0] // bc
        hi_b = seq_b + tnb
        interior = jnp.maximum(seq_b - 1, 0)
        return (jnp.where((i < seq_b) | (i >= hi_b), i, interior), 0, 0)

    def new_map(i, s):
        seq_b = s[0] // bc
        return (jnp.clip(i - seq_b, 0, tnb - 1), 0, 0)

    grid_spec = pltpu.PrefetchScalarGridSpec(
        num_scalar_prefetch=1,
        grid=(nb,),
        in_specs=[
            pl.BlockSpec((bc, G, D), buf_map),
            pl.BlockSpec((bc, G, D), new_map),
        ],
        out_specs=pl.BlockSpec((bc, G, D), lambda i, s: (i, 0, 0)),
    )

    return pl.pallas_call(
        functools.partial(_block_body1, tnb=tnb),
        grid_spec=grid_spec,
        out_shape=jax.ShapeDtypeStruct((C, G, D), kb.dtype),
        compiler_params=pltpu.CompilerParams(
            dimension_semantics=("arbitrary",),
        ),
    )(seq, kb, nk)


def _sc_body1(kb, nk, seq_h, ok, *rest, nw, t_rows, nch):
    bufs = rest[:_SC_RING]
    seq_v = rest[_SC_RING]
    sins = rest[_SC_RING + 1:2 * _SC_RING + 1]
    souts = rest[2 * _SC_RING + 1:3 * _SC_RING + 1]
    sq = rest[3 * _SC_RING + 1]
    w = jax.lax.axis_index("s") * 2 + jax.lax.axis_index("c")
    rpw = nch * _SC_CH
    base0 = w * rpw
    tot = nch

    pltpu.async_copy(seq_h, seq_v, sq).wait()
    seq = seq_v[...][0]

    def issue_in(cid, slot):
        base = base0 + cid * _SC_CH
        in_new = (base >= seq) & (base < seq + t_rows)
        src_row = pl.multiple_of(jnp.where(in_new, base - seq, base), _SC_CH)

        def cp(ref):
            def _():
                pltpu.make_async_copy(ref.at[pl.ds(src_row, _SC_CH)], bufs[slot], sins[slot]).start()
            return _

        jax.lax.cond(in_new, cp(nk), cp(kb))

    def issue_out(cid, slot):
        base = pl.multiple_of(base0 + cid * _SC_CH, _SC_CH)
        pltpu.make_async_copy(bufs[slot], ok.at[pl.ds(base, _SC_CH)], souts[slot]).start()

    def wait_in(slot):
        pltpu.make_async_copy(kb.at[pl.ds(0, _SC_CH)], bufs[slot], sins[slot]).wait()

    def wait_out(slot):
        pltpu.make_async_copy(kb.at[pl.ds(0, _SC_CH)], bufs[slot], souts[slot]).wait()

    for s in range(_SC_RING):
        issue_in(s, s)

    def g_body(g, carry):
        for s in range(_SC_RING):
            cid = g * _SC_RING + s

            @pl.when(cid < tot)
            def _():
                wait_in(s)
                issue_out(cid, s)
                nid = cid + _SC_RING

                @pl.when(nid < tot)
                def _():
                    wait_out(s)
                    issue_in(nid, s)

        return carry

    groups = (tot + _SC_RING - 1) // _SC_RING
    jax.lax.fori_loop(0, groups, g_body, 0)

    for s in range(_SC_RING):
        wait_out(s)


def _sc_fast_one(kb, nk, seq16, *, nw=32):
    C, G, D = kb.shape
    T = nk.shape[0]
    nch = C // nw // _SC_CH
    mesh = _plsc.VectorSubcoreMesh(core_axis_name="c", subcore_axis_name="s")
    f = functools.partial(
        pl.kernel,
        out_type=jax.ShapeDtypeStruct((C, G, D), kb.dtype),
        mesh=mesh,
        scratch_types=(
            [pltpu.VMEM((_SC_CH, G, D), kb.dtype) for _ in range(_SC_RING)]
            + [pltpu.VMEM((16,), jnp.int32)]
            + [pltpu.SemaphoreType.DMA] * (2 * _SC_RING + 1)
        ),
    )(functools.partial(_sc_body1, nw=nw, t_rows=T, nch=nch))
    return f(kb, nk, seq16)


def _hybrid_fast_kernel(kb, vb, nk, nv, seq, seq16, *, bc):
    out_k = _sc_fast_one(kb, nk, seq16)
    out_v = _tc_fast_one(vb, nv, seq, bc=bc)
    return [out_k, out_v]



def _dma_body(seq_ref, kb, nk, vb, nv, ok, ov, sem, *, bc, gd, c_rows, t_rows):
    seq = seq_ref[0]
    cb = bc * gd

    def _cp(src, s_off, dst, d_off, size):
        s_off = pl.multiple_of(s_off, gd)
        d_off = pl.multiple_of(d_off, gd)
        pltpu.make_async_copy(src.at[pl.ds(s_off, size)], dst.at[pl.ds(d_off, size)], sem).start()

    def head_chunk(i, n):
        base = i * cb
        _cp(kb, base, ok, base, cb)
        _cp(vb, base, ov, base, cb)
        return n + 2

    def mid_chunk(i, n):
        src = i * cb
        dst = (seq + i * bc) * gd
        _cp(nk, src, ok, dst, cb)
        _cp(nv, src, ov, dst, cb)
        return n + 2

    def tail_chunk(i, n):
        base = (seq + t_rows + i * bc) * gd
        _cp(kb, base, ok, base, cb)
        _cp(vb, base, ov, base, cb)
        return n + 2

    def head_row(i, n):
        base = ((seq // bc) * bc + i) * gd
        _cp(kb, base, ok, base, gd)
        _cp(vb, base, ov, base, gd)
        return n + 2

    def tail_row(i, n):
        base = (c_rows - ((c_rows - seq - t_rows) % bc) + i) * gd
        _cp(kb, base, ok, base, gd)
        _cp(vb, base, ov, base, gd)
        return n + 2

    n_chunks = jax.lax.fori_loop(0, seq // bc, head_chunk, 0)
    n_chunks = jax.lax.fori_loop(0, t_rows // bc, mid_chunk, n_chunks)
    n_chunks = jax.lax.fori_loop(0, (c_rows - seq - t_rows) // bc, tail_chunk, n_chunks)
    n_rows = jax.lax.fori_loop(0, seq % bc, head_row, 0)
    n_rows = jax.lax.fori_loop(0, (c_rows - seq - t_rows) % bc, tail_row, n_rows)

    def wait_chunk(i, _):
        pltpu.make_async_copy(ok.at[pl.ds(0, cb)], ok.at[pl.ds(0, cb)], sem).wait()
        return 0

    def wait_row(i, _):
        pltpu.make_async_copy(ok.at[pl.ds(0, gd)], ok.at[pl.ds(0, gd)], sem).wait()
        return 0

    jax.lax.fori_loop(0, n_chunks, wait_chunk, 0)
    jax.lax.fori_loop(0, n_rows, wait_row, 0)


def _general_kernel(kb, vb, nk, nv, seq, *, bc):
    C, G, D = kb.shape
    T = nk.shape[0]
    GD = G * D
    hbm = pl.BlockSpec(memory_space=pltpu.MemorySpace.HBM)
    out = pl.pallas_call(
        functools.partial(_dma_body, bc=bc, gd=GD, c_rows=C, t_rows=T),
        in_specs=[pl.BlockSpec(memory_space=pltpu.SMEM), hbm, hbm, hbm, hbm],
        out_specs=[hbm, hbm],
        out_shape=[
            jax.ShapeDtypeStruct((C * GD,), kb.dtype),
            jax.ShapeDtypeStruct((C * GD,), vb.dtype),
        ],
        scratch_shapes=[pltpu.SemaphoreType.DMA],
    )(seq, kb.reshape(C * GD), nk.reshape(T * GD), vb.reshape(C * GD), nv.reshape(T * GD))
    return [out[0].reshape(C, G, D), out[1].reshape(C, G, D)]


def kernel(keys_buffer, values_buffer, new_keys, new_values, sequence_length):
    T = new_keys.shape[0]
    BC = 256

    seq_i32 = jnp.asarray(sequence_length, jnp.int32)
    seq = seq_i32.reshape(1)

    out_k, out_v = jax.lax.cond(
        seq_i32 % BC == 0,
        lambda: _hybrid_fast_kernel(keys_buffer, values_buffer, new_keys, new_values,
                                    seq, jnp.broadcast_to(seq_i32, (16,)), bc=BC),
        lambda: _general_kernel(keys_buffer, values_buffer, new_keys, new_values, seq, bc=BC),
    )

    new_seq = jnp.asarray(sequence_length + T, dtype=jnp.int32)
    return (new_seq, out_k, out_v)

# --- scband reference (transcript-rebuilt; emitter-appended) ---
"""Pipeline reference for scband-static-kvcache-layer-33741263077807 (READ-ONLY COPY).

The authoritative reference and input builder live on the scoring server;
editing this copy changes nothing except your own understanding.
"""

import jax, jax.numpy as jnp
import numpy as np
from jax.lax import dynamic_update_slice_in_dim


def setup_inputs(seed: int = 0) -> dict:
    key = jax.random.key(seed)
    k1, k2, k3, k4 = jax.random.split(key, 4)
    C, G, D = 8192, 32, 128
    T = 4096
    return {
        "keys_buffer": jax.random.normal(k1, (C, G, D), dtype=jnp.float32),
        "values_buffer": jax.random.normal(k2, (C, G, D), dtype=jnp.float32),
        "new_keys": jax.random.normal(k3, (T, G, D), dtype=jnp.float32),
        "new_values": jax.random.normal(k4, (T, G, D), dtype=jnp.float32),
        "sequence_length": 2048,
    }


def reference(keys_buffer, values_buffer, new_keys, new_values, sequence_length):
    # StaticKVCacheLayer.extend, no-growth path:
    #   new_sequence_length = sequence_length + num_new_tokens (<= capacity)
    #   keys_buffer[seq:new_seq] = new_keys ; values_buffer[seq:new_seq] = new_values
    if new_keys.shape != new_values.shape:
        raise ValueError("Keys and values must have the same shape")
    num_new_tokens, new_groups, new_head_dim = new_keys.shape
    capacity, groups, head_dim = keys_buffer.shape
    if new_groups != groups or new_head_dim != head_dim:
        raise ValueError("New keys and values must have the same number of groups and head dimensions")
    new_sequence_length = sequence_length + num_new_tokens
    # contiguous scatter-overwrite into the cache buffers
    new_keys_buffer = dynamic_update_slice_in_dim(keys_buffer, new_keys, sequence_length, axis=0)
    new_values_buffer = dynamic_update_slice_in_dim(values_buffer, new_values, sequence_length, axis=0)
    return (jnp.asarray(new_sequence_length, dtype=jnp.int32), new_keys_buffer, new_values_buffer)

if __name__ == "__main__":
    import jax
    _d = setup_inputs()
    print(jax.jit(kernel)(*tuple(_d.values())))

</pallas_src>

<mosaic_0001>
#map = affine_map<(d0, d1) -> (0, 0, 0)>
#map1 = affine_map<(d0, d1) -> (0)>
module attributes {stable_mosaic.version = 14 : i64} {
  func.func @_sc_body1(%arg0: i32, %arg1: i32, %arg2: memref<8192x32x128xf32, #tpu.memory_space<hbm>>, %arg3: memref<4096x32x128xf32, #tpu.memory_space<hbm>>, %arg4: memref<16xi32, #tpu.memory_space<hbm>>, %arg5: memref<8192x32x128xf32, #tpu.memory_space<hbm>>, %arg6: memref<4x32x128xf32, #tpu.memory_space<vmem>>, %arg7: memref<4x32x128xf32, #tpu.memory_space<vmem>>, %arg8: memref<4x32x128xf32, #tpu.memory_space<vmem>>, %arg9: memref<4x32x128xf32, #tpu.memory_space<vmem>>, %arg10: memref<4x32x128xf32, #tpu.memory_space<vmem>>, %arg11: memref<4x32x128xf32, #tpu.memory_space<vmem>>, %arg12: memref<4x32x128xf32, #tpu.memory_space<vmem>>, %arg13: memref<16xi32, #tpu.memory_space<vmem>>, %arg14: memref<!tpu.dma_semaphore, #tpu.memory_space<semaphore_mem>>, %arg15: memref<!tpu.dma_semaphore, #tpu.memory_space<semaphore_mem>>, %arg16: memref<!tpu.dma_semaphore, #tpu.memory_space<semaphore_mem>>, %arg17: memref<!tpu.dma_semaphore, #tpu.memory_space<semaphore_mem>>, %arg18: memref<!tpu.dma_semaphore, #tpu.memory_space<semaphore_mem>>, %arg19: memref<!tpu.dma_semaphore, #tpu.memory_space<semaphore_mem>>, %arg20: memref<!tpu.dma_semaphore, #tpu.memory_space<semaphore_mem>>, %arg21: memref<!tpu.dma_semaphore, #tpu.memory_space<semaphore_mem>>, %arg22: memref<!tpu.dma_semaphore, #tpu.memory_space<semaphore_mem>>, %arg23: memref<!tpu.dma_semaphore, #tpu.memory_space<semaphore_mem>>, %arg24: memref<!tpu.dma_semaphore, #tpu.memory_space<semaphore_mem>>, %arg25: memref<!tpu.dma_semaphore, #tpu.memory_space<semaphore_mem>>, %arg26: memref<!tpu.dma_semaphore, #tpu.memory_space<semaphore_mem>>, %arg27: memref<!tpu.dma_semaphore, #tpu.memory_space<semaphore_mem>>, %arg28: memref<!tpu.dma_semaphore, #tpu.memory_space<semaphore_mem>>) attributes {dimension_semantics = [#tpu.dimension_semantics<core_parallel>, #tpu.dimension_semantics<subcore_parallel>], iteration_bounds = array<i64: 2, 16>, scalar_prefetch = 0 : i64, scratch_operands = 23 : i64, tpu.core_type = #tpu.core_type<sc_vector_subcore>, window_params = [{transform_indices = #map}, {transform_indices = #map}, {transform_indices = #map1}, {transform_indices = #map}]} {
    %mul3A = arith.constant 2 : i32
    %mul3A_0 = arith.muli %arg1, %mul3A : i32
    %add3A = arith.addi %mul3A_0, %arg0 : i32
    %mul3A_1 = arith.constant 256 : i32
    %mul3A_2 = arith.muli %add3A, %mul3A_1 : i32
    tpu.enqueue_dma source(%arg4 : memref<16xi32, #tpu.memory_space<hbm>>) target(%arg13 : memref<16xi32, #tpu.memory_space<vmem>>) target_semaphore(%arg28 : memref<!tpu.dma_semaphore, #tpu.memory_space<semaphore_mem>>)
    tpu.wait_dma2 semaphore(%arg28 : memref<!tpu.dma_semaphore, #tpu.memory_space<semaphore_mem>>) src(%arg4 : memref<16xi32, #tpu.memory_space<hbm>>) dst(%arg13 : memref<16xi32, #tpu.memory_space<vmem>>)
    %get3A = arith.constant 0 : index
    %get3A_3 = tpu.vector_load %arg13[%get3A] {strides = array<i32>} : memref<16xi32, #tpu.memory_space<vmem>>, vector<16xi32>,
    %get3A_4 = vector.shape_cast %get3A_3 : vector<16xi32> to vector<16xi32>
    %slice3A = vector.extract_strided_slice %get3A_4 {offsets = [0], sizes = [1], strides = [1]} : vector<16xi32> to vector<1xi32>
    %squeeze3A = vector.extract %slice3A[0] : i32 from vector<1xi32>
    %add3A_5 = arith.constant 0 : i32
    %add3A_6 = arith.addi %mul3A_2, %add3A_5 : i32
    %ge3A = arith.cmpi sge, %add3A_6, %squeeze3A : i32
    %add3A_7 = arith.constant 4096 : i32
    %add3A_8 = arith.addi %squeeze3A, %add3A_7 : i32
    %lt3A = arith.cmpi slt, %add3A_6, %add3A_8 : i32
    %and3A = arith.andi %ge3A, %lt3A : i1
    %sub3A = arith.subi %add3A_6, %squeeze3A : i32
    %select_n3A = arith.select %and3A, %sub3A, %add3A_6 : i32
    %multiple_of3A = tpu.assume_multiple %select_n3A, 4 : i32
    %convert_element_type3A = arith.extui %and3A : i1 to i32
    %cond3A = arith.constant 0 : i32
    %cond3A_9 = arith.cmpi ne, %convert_element_type3A, %cond3A : i32
    scf.if %cond3A_9 {
      %dma_start3A = arith.constant 0 : i32
      %dma_start3A_148 = arith.constant 0 : i32
      %dma_start3A_149 = tpu.memref_slice %arg3[%multiple_of3A, %dma_start3A, %dma_start3A_148] : memref<4096x32x128xf32, #tpu.memory_space<hbm>> -> memref<4x32x128xf32, #tpu.memory_space<hbm>>
      %dma_start3A_150 = arith.constant 0 : i32
      %dma_start3A_151 = arith.constant 0 : i32
      %dma_start3A_152 = tpu.memref_slice %arg3[%multiple_of3A, %dma_start3A_150, %dma_start3A_151] : memref<4096x32x128xf32, #tpu.memory_space<hbm>> -> memref<4x32x128xf32, #tpu.memory_space<hbm>>
      tpu.enqueue_dma source(%dma_start3A_152 : memref<4x32x128xf32, #tpu.memory_space<hbm>>) target(%arg6 : memref<4x32x128xf32, #tpu.memory_space<vmem>>) target_semaphore(%arg14 : memref<!tpu.dma_semaphore, #tpu.memory_space<semaphore_mem>>)
    } else {
      %dma_start3A = arith.constant 0 : i32
      %dma_start3A_148 = arith.constant 0 : i32
      %dma_start3A_149 = tpu.memref_slice %arg2[%multiple_of3A, %dma_start3A, %dma_start3A_148] : memref<8192x32x128xf32, #tpu.memory_space<hbm>> -> memref<4x32x128xf32, #tpu.memory_space<hbm>>
      %dma_start3A_150 = arith.constant 0 : i32
      %dma_start3A_151 = arith.constant 0 : i32
      %dma_start3A_152 = tpu.memref_slice %arg2[%multiple_of3A, %dma_start3A_150, %dma_start3A_151] : memref<8192x32x128xf32, #tpu.memory_space<hbm>> -> memref<4x32x128xf32, #tpu.memory_space<hbm>>
      tpu.enqueue_dma source(%dma_start3A_152 : memref<4x32x128xf32, #tpu.memory_space<hbm>>) target(%arg6 : memref<4x32x128xf32, #tpu.memory_space<vmem>>) target_semaphore(%arg14 : memref<!tpu.dma_semaphore, #tpu.memory_space<semaphore_mem>>)
    }
    %add3A_10 = arith.constant 4 : i32
    %add3A_11 = arith.addi %mul3A_2, %add3A_10 : i32
    %ge3A_12 = arith.cmpi sge, %add3A_11, %squeeze3A : i32
    %add3A_13 = arith.constant 4096 : i32
    %add3A_14 = arith.addi %squeeze3A, %add3A_13 : i32
    %lt3A_15 = arith.cmpi slt, %add3A_11, %add3A_14 : i32
    %and3A_16 = arith.andi %ge3A_12, %lt3A_15 : i1
    %sub3A_17 = arith.subi %add3A_11, %squeeze3A : i32
    %select_n3A_18 = arith.select %and3A_16, %sub3A_17, %add3A_11 : i32
    %multiple_of3A_19 = tpu.assume_multiple %select_n3A_18, 4 : i32
    %convert_element_type3A_20 = arith.extui %and3A_16 : i1 to i32
    %cond3A_21 = arith.constant 0 : i32
    %cond3A_22 = arith.cmpi ne, %convert_element_type3A_20, %cond3A_21 : i32
    scf.if %cond3A_22 {
      %dma_start3A = arith.constant 0 : i32
      %dma_start3A_148 = arith.constant 0 : i32
      %dma_start3A_149 = tpu.memref_slice %arg3[%multiple_of3A_19, %dma_start3A, %dma_start3A_148] : memref<4096x32x128xf32, #tpu.memory_space<hbm>> -> memref<4x32x128xf32, #tpu.memory_space<hbm>>
      %dma_start3A_150 = arith.constant 0 : i32
      %dma_start3A_151 = arith.constant 0 : i32
      %dma_start3A_152 = tpu.memref_slice %arg3[%multiple_of3A_19, %dma_start3A_150, %dma_start3A_151] : memref<4096x32x128xf32, #tpu.memory_space<hbm>> -> memref<4x32x128xf32, #tpu.memory_space<hbm>>
      tpu.enqueue_dma source(%dma_start3A_152 : memref<4x32x128xf32, #tpu.memory_space<hbm>>) target(%arg7 : memref<4x32x128xf32, #tpu.memory_space<vmem>>) target_semaphore(%arg15 : memref<!tpu.dma_semaphore, #tpu.memory_space<semaphore_mem>>)
    } else {
      %dma_start3A = arith.constant 0 : i32
      %dma_start3A_148 = arith.constant 0 : i32
      %dma_start3A_149 = tpu.memref_slice %arg2[%multiple_of3A_19, %dma_start3A, %dma_start3A_148] : memref<8192x32x128xf32, #tpu.memory_space<hbm>> -> memref<4x32x128xf32, #tpu.memory_space<hbm>>
      %dma_start3A_150 = arith.constant 0 : i32
      %dma_start3A_151 = arith.constant 0 : i32
      %dma_start3A_152 = tpu.memref_slice %arg2[%multiple_of3A_19, %dma_start3A_150, %dma_start3A_151] : memref<8192x32x128xf32, #tpu.memory_space<hbm>> -> memref<4x32x128xf32, #tpu.memory_space<hbm>>
      tpu.enqueue_dma source(%dma_start3A_152 : memref<4x32x128xf32, #tpu.memory_space<hbm>>) target(%arg7 : memref<4x32x128xf32, #tpu.memory_space<vmem>>) target_semaphore(%arg15 : memref<!tpu.dma_semaphore, #tpu.memory_space<semaphore_mem>>)
    }
    %add3A_23 = arith.constant 8 : i32
    %add3A_24 = arith.addi %mul3A_2, %add3A_23 : i32
    %ge3A_25 = arith.cmpi sge, %add3A_24, %squeeze3A : i32
    %add3A_26 = arith.constant 4096 : i32
    %add3A_27 = arith.addi %squeeze3A, %add3A_26 : i32
    %lt3A_28 = arith.cmpi slt, %add3A_24, %add3A_27 : i32
    %and3A_29 = arith.andi %ge3A_25, %lt3A_28 : i1
    %sub3A_30 = arith.subi %add3A_24, %squeeze3A : i32
    %select_n3A_31 = arith.select %and3A_29, %sub3A_30, %add3A_24 : i32
    %multiple_of3A_32 = tpu.assume_multiple %select_n3A_31, 4 : i32
    %convert_element_type3A_33 = arith.extui %and3A_29 : i1 to i32
    %cond3A_34 = arith.constant 0 : i32
    %cond3A_35 = arith.cmpi ne, %convert_element_type3A_33, %cond3A_34 : i32
    scf.if %cond3A_35 {
      %dma_start3A = arith.constant 0 : i32
      %dma_start3A_148 = arith.constant 0 : i32
      %dma_start3A_149 = tpu.memref_slice %arg3[%multiple_of3A_32, %dma_start3A, %dma_start3A_148] : memref<4096x32x128xf32, #tpu.memory_space<hbm>> -> memref<4x32x128xf32, #tpu.memory_space<hbm>>
      %dma_start3A_150 = arith.constant 0 : i32
      %dma_start3A_151 = arith.constant 0 : i32
      %dma_start3A_152 = tpu.memref_slice %arg3[%multiple_of3A_32, %dma_start3A_150, %dma_start3A_151] : memref<4096x32x128xf32, #tpu.memory_space<hbm>> -> memref<4x32x128xf32, #tpu.memory_space<hbm>>
      tpu.enqueue_dma source(%dma_start3A_152 : memref<4x32x128xf32, #tpu.memory_space<hbm>>) target(%arg8 : memref<4x32x128xf32, #tpu.memory_space<vmem>>) target_semaphore(%arg16 : memref<!tpu.dma_semaphore, #tpu.memory_space<semaphore_mem>>)
    } else {
      %dma_start3A = arith.constant 0 : i32
      %dma_start3A_148 = arith.constant 0 : i32
      %dma_start3A_149 = tpu.memref_slice %arg2[%multiple_of3A_32, %dma_start3A, %dma_start3A_148] : memref<8192x32x128xf32, #tpu.memory_space<hbm>> -> memref<4x32x128xf32, #tpu.memory_space<hbm>>
      %dma_start3A_150 = arith.constant 0 : i32
      %dma_start3A_151 = arith.constant 0 : i32
      %dma_start3A_152 = tpu.memref_slice %arg2[%multiple_of3A_32, %dma_start3A_150, %dma_start3A_151] : memref<8192x32x128xf32, #tpu.memory_space<hbm>> -> memref<4x32x128xf32, #tpu.memory_space<hbm>>
      tpu.enqueue_dma source(%dma_start3A_152 : memref<4x32x128xf32, #tpu.memory_space<hbm>>) target(%arg8 : memref<4x32x128xf32, #tpu.memory_space<vmem>>) target_semaphore(%arg16 : memref<!tpu.dma_semaphore, #tpu.memory_space<semaphore_mem>>)
    }
    %add3A_36 = arith.constant 12 : i32
    %add3A_37 = arith.addi %mul3A_2, %add3A_36 : i32
    %ge3A_38 = arith.cmpi sge, %add3A_37, %squeeze3A : i32
    %add3A_39 = arith.constant 4096 : i32
    %add3A_40 = arith.addi %squeeze3A, %add3A_39 : i32
    %lt3A_41 = arith.cmpi slt, %add3A_37, %add3A_40 : i32
    %and3A_42 = arith.andi %ge3A_38, %lt3A_41 : i1
    %sub3A_43 = arith.subi %add3A_37, %squeeze3A : i32
    %select_n3A_44 = arith.select %and3A_42, %sub3A_43, %add3A_37 : i32
    %multiple_of3A_45 = tpu.assume_multiple %select_n3A_44, 4 : i32
    %convert_element_type3A_46 = arith.extui %and3A_42 : i1 to i32
    %cond3A_47 = arith.constant 0 : i32
    %cond3A_48 = arith.cmpi ne, %convert_element_type3A_46, %cond3A_47 : i32
    scf.if %cond3A_48 {
      %dma_start3A = arith.constant 0 : i32
      %dma_start3A_148 = arith.constant 0 : i32
      %dma_start3A_149 = tpu.memref_slice %arg3[%multiple_of3A_45, %dma_start3A, %dma_start3A_148] : memref<4096x32x128xf32, #tpu.memory_space<hbm>> -> memref<4x32x128xf32, #tpu.memory_space<hbm>>
      %dma_start3A_150 = arith.constant 0 : i32
      %dma_start3A_151 = arith.constant 0 : i32
      %dma_start3A_152 = tpu.memref_slice %arg3[%multiple_of3A_45, %dma_start3A_150, %dma_start3A_151] : memref<4096x32x128xf32, #tpu.memory_space<hbm>> -> memref<4x32x128xf32, #tpu.memory_space<hbm>>
      tpu.enqueue_dma source(%dma_start3A_152 : memref<4x32x128xf32, #tpu.memory_space<hbm>>) target(%arg9 : memref<4x32x128xf32, #tpu.memory_space<vmem>>) target_semaphore(%arg17 : memref<!tpu.dma_semaphore, #tpu.memory_space<semaphore_mem>>)
    } else {
      %dma_start3A = arith.constant 0 : i32
      %dma_start3A_148 = arith.constant 0 : i32
      %dma_start3A_149 = tpu.memref_slice %arg2[%multiple_of3A_45, %dma_start3A, %dma_start3A_148] : memref<8192x32x128xf32, #tpu.memory_space<hbm>> -> memref<4x32x128xf32, #tpu.memory_space<hbm>>
      %dma_start3A_150 = arith.constant 0 : i32
      %dma_start3A_151 = arith.constant 0 : i32
      %dma_start3A_152 = tpu.memref_slice %arg2[%multiple_of3A_45, %dma_start3A_150, %dma_start3A_151] : memref<8192x32x128xf32, #tpu.memory_space<hbm>> -> memref<4x32x128xf32, #tpu.memory_space<hbm>>
      tpu.enqueue_dma source(%dma_start3A_152 : memref<4x32x128xf32, #tpu.memory_space<hbm>>) target(%arg9 : memref<4x32x128xf32, #tpu.memory_space<vmem>>) target_semaphore(%arg17 : memref<!tpu.dma_semaphore, #tpu.memory_space<semaphore_mem>>)
    }
    %add3A_49 = arith.constant 16 : i32
    %add3A_50 = arith.addi %mul3A_2, %add3A_49 : i32
    %ge3A_51 = arith.cmpi sge, %add3A_50, %squeeze3A : i32
    %add3A_52 = arith.constant 4096 : i32
    %add3A_53 = arith.addi %squeeze3A, %add3A_52 : i32
    %lt3A_54 = arith.cmpi slt, %add3A_50, %add3A_53 : i32
    %and3A_55 = arith.andi %ge3A_51, %lt3A_54 : i1
    %sub3A_56 = arith.subi %add3A_50, %squeeze3A : i32
    %select_n3A_57 = arith.select %and3A_55, %sub3A_56, %add3A_50 : i32
    %multiple_of3A_58 = tpu.assume_multiple %select_n3A_57, 4 : i32
    %convert_element_type3A_59 = arith.extui %and3A_55 : i1 to i32
    %cond3A_60 = arith.constant 0 : i32
    %cond3A_61 = arith.cmpi ne, %convert_element_type3A_59, %cond3A_60 : i32
    scf.if %cond3A_61 {
      %dma_start3A = arith.constant 0 : i32
      %dma_start3A_148 = arith.constant 0 : i32
      %dma_start3A_149 = tpu.memref_slice %arg3[%multiple_of3A_58, %dma_start3A, %dma_start3A_148] : memref<4096x32x128xf32, #tpu.memory_space<hbm>> -> memref<4x32x128xf32, #tpu.memory_space<hbm>>
      %dma_start3A_150 = arith.constant 0 : i32
      %dma_start3A_151 = arith.constant 0 : i32
      %dma_start3A_152 = tpu.memref_slice %arg3[%multiple_of3A_58, %dma_start3A_150, %dma_start3A_151] : memref<4096x32x128xf32, #tpu.memory_space<hbm>> -> memref<4x32x128xf32, #tpu.memory_space<hbm>>
      tpu.enqueue_dma source(%dma_start3A_152 : memref<4x32x128xf32, #tpu.memory_space<hbm>>) target(%arg10 : memref<4x32x128xf32, #tpu.memory_space<vmem>>) target_semaphore(%arg18 : memref<!tpu.dma_semaphore, #tpu.memory_space<semaphore_mem>>)
    } else {
      %dma_start3A = arith.constant 0 : i32
      %dma_start3A_148 = arith.constant 0 : i32
      %dma_start3A_149 = tpu.memref_slice %arg2[%multiple_of3A_58, %dma_start3A, %dma_start3A_148] : memref<8192x32x128xf32, #tpu.memory_space<hbm>> -> memref<4x32x128xf32, #tpu.memory_space<hbm>>
      %dma_start3A_150 = arith.constant 0 : i32
      %dma_start3A_151 = arith.constant 0 : i32
      %dma_start3A_152 = tpu.memref_slice %arg2[%multiple_of3A_58, %dma_start3A_150, %dma_start3A_151] : memref<8192x32x128xf32, #tpu.memory_space<hbm>> -> memref<4x32x128xf32, #tpu.memory_space<hbm>>
      tpu.enqueue_dma source(%dma_start3A_152 : memref<4x32x128xf32, #tpu.memory_space<hbm>>) target(%arg10 : memref<4x32x128xf32, #tpu.memory_space<vmem>>) target_semaphore(%arg18 : memref<!tpu.dma_semaphore, #tpu.memory_space<semaphore_mem>>)
    }
    %add3A_62 = arith.constant 20 : i32
    %add3A_63 = arith.addi %mul3A_2, %add3A_62 : i32
    %ge3A_64 = arith.cmpi sge, %add3A_63, %squeeze3A : i32
    %add3A_65 = arith.constant 4096 : i32
    %add3A_66 = arith.addi %squeeze3A, %add3A_65 : i32
    %lt3A_67 = arith.cmpi slt, %add3A_63, %add3A_66 : i32
    %and3A_68 = arith.andi %ge3A_64, %lt3A_67 : i1
    %sub3A_69 = arith.subi %add3A_63, %squeeze3A : i32
    %select_n3A_70 = arith.select %and3A_68, %sub3A_69, %add3A_63 : i32
    %multiple_of3A_71 = tpu.assume_multiple %select_n3A_70, 4 : i32
    %convert_element_type3A_72 = arith.extui %and3A_68 : i1 to i32
    %cond3A_73 = arith.constant 0 : i32
    %cond3A_74 = arith.cmpi ne, %convert_element_type3A_72, %cond3A_73 : i32
    scf.if %cond3A_74 {
      %dma_start3A = arith.constant 0 : i32
      %dma_start3A_148 = arith.constant 0 : i32
      %dma_start3A_149 = tpu.memref_slice %arg3[%multiple_of3A_71, %dma_start3A, %dma_start3A_148] : memref<4096x32x128xf32, #tpu.memory_space<hbm>> -> memref<4x32x128xf32, #tpu.memory_space<hbm>>
      %dma_start3A_150 = arith.constant 0 : i32
      %dma_start3A_151 = arith.constant 0 : i32
      %dma_start3A_152 = tpu.memref_slice %arg3[%multiple_of3A_71, %dma_start3A_150, %dma_start3A_151] : memref<4096x32x128xf32, #tpu.memory_space<hbm>> -> memref<4x32x128xf32, #tpu.memory_space<hbm>>
      tpu.enqueue_dma source(%dma_start3A_152 : memref<4x32x128xf32, #tpu.memory_space<hbm>>) target(%arg11 : memref<4x32x128xf32, #tpu.memory_space<vmem>>) target_semaphore(%arg19 : memref<!tpu.dma_semaphore, #tpu.memory_space<semaphore_mem>>)
    } else {
      %dma_start3A = arith.constant 0 : i32
      %dma_start3A_148 = arith.constant 0 : i32
      %dma_start3A_149 = tpu.memref_slice %arg2[%multiple_of3A_71, %dma_start3A, %dma_start3A_148] : memref<8192x32x128xf32, #tpu.memory_space<hbm>> -> memref<4x32x128xf32, #tpu.memory_space<hbm>>
      %dma_start3A_150 = arith.constant 0 : i32
      %dma_start3A_151 = arith.constant 0 : i32
      %dma_start3A_152 = tpu.memref_slice %arg2[%multiple_of3A_71, %dma_start3A_150, %dma_start3A_151] : memref<8192x32x128xf32, #tpu.memory_space<hbm>> -> memref<4x32x128xf32, #tpu.memory_space<hbm>>
      tpu.enqueue_dma source(%dma_start3A_152 : memref<4x32x128xf32, #tpu.memory_space<hbm>>) target(%arg11 : memref<4x32x128xf32, #tpu.memory_space<vmem>>) target_semaphore(%arg19 : memref<!tpu.dma_semaphore, #tpu.memory_space<semaphore_mem>>)
    }
    %add3A_75 = arith.constant 24 : i32
    %add3A_76 = arith.addi %mul3A_2, %add3A_75 : i32
    %ge3A_77 = arith.cmpi sge, %add3A_76, %squeeze3A : i32
    %add3A_78 = arith.constant 4096 : i32
    %add3A_79 = arith.addi %squeeze3A, %add3A_78 : i32
    %lt3A_80 = arith.cmpi slt, %add3A_76, %add3A_79 : i32
    %and3A_81 = arith.andi %ge3A_77, %lt3A_80 : i1
    %sub3A_82 = arith.subi %add3A_76, %squeeze3A : i32
    %select_n3A_83 = arith.select %and3A_81, %sub3A_82, %add3A_76 : i32
    %multiple_of3A_84 = tpu.assume_multiple %select_n3A_83, 4 : i32
    %convert_element_type3A_85 = arith.extui %and3A_81 : i1 to i32
    %cond3A_86 = arith.constant 0 : i32
    %cond3A_87 = arith.cmpi ne, %convert_element_type3A_85, %cond3A_86 : i32
    scf.if %cond3A_87 {
      %dma_start3A = arith.constant 0 : i32
      %dma_start3A_148 = arith.constant 0 : i32
      %dma_start3A_149 = tpu.memref_slice %arg3[%multiple_of3A_84, %dma_start3A, %dma_start3A_148] : memref<4096x32x128xf32, #tpu.memory_space<hbm>> -> memref<4x32x128xf32, #tpu.memory_space<hbm>>
      %dma_start3A_150 = arith.constant 0 : i32
      %dma_start3A_151 = arith.constant 0 : i32
      %dma_start3A_152 = tpu.memref_slice %arg3[%multiple_of3A_84, %dma_start3A_150, %dma_start3A_151] : memref<4096x32x128xf32, #tpu.memory_space<hbm>> -> memref<4x32x128xf32, #tpu.memory_space<hbm>>
      tpu.enqueue_dma source(%dma_start3A_152 : memref<4x32x128xf32, #tpu.memory_space<hbm>>) target(%arg12 : memref<4x32x128xf32, #tpu.memory_space<vmem>>) target_semaphore(%arg20 : memref<!tpu.dma_semaphore, #tpu.memory_space<semaphore_mem>>)
    } else {
      %dma_start3A = arith.constant 0 : i32
      %dma_start3A_148 = arith.constant 0 : i32
      %dma_start3A_149 = tpu.memref_slice %arg2[%multiple_of3A_84, %dma_start3A, %dma_start3A_148] : memref<8192x32x128xf32, #tpu.memory_space<hbm>> -> memref<4x32x128xf32, #tpu.memory_space<hbm>>
      %dma_start3A_150 = arith.constant 0 : i32
      %dma_start3A_151 = arith.constant 0 : i32
      %dma_start3A_152 = tpu.memref_slice %arg2[%multiple_of3A_84, %dma_start3A_150, %dma_start3A_151] : memref<8192x32x128xf32, #tpu.memory_space<hbm>> -> memref<4x32x128xf32, #tpu.memory_space<hbm>>
      tpu.enqueue_dma source(%dma_start3A_152 : memref<4x32x128xf32, #tpu.memory_space<hbm>>) target(%arg12 : memref<4x32x128xf32, #tpu.memory_space<vmem>>) target_semaphore(%arg20 : memref<!tpu.dma_semaphore, #tpu.memory_space<semaphore_mem>>)
    }
    %scan3A = arith.constant 0 : i32
    %scan3A_88 = arith.constant 0 : i32
    %scan3A_89 = arith.constant 10 : i32
    %scan3A_90 = arith.addi %scan3A_88, %scan3A_89 : i32
    %scan3A_91 = arith.constant 1 : i32
    scf.for %scan3A_148 = %scan3A_88 to %scan3A_90 step %scan3A_91  : i32 {
      %mul3A_149 = arith.constant 7 : i32
      %mul3A_150 = arith.muli %scan3A_148, %mul3A_149 : i32
      %add3A_151 = arith.constant 0 : i32
      %add3A_152 = arith.addi %mul3A_150, %add3A_151 : i32
      %lt3A_153 = arith.constant 64 : i32
      %lt3A_154 = arith.cmpi slt, %add3A_152, %lt3A_153 : i32
      %convert_element_type3A_155 = arith.extui %lt3A_154 : i1 to i32
      %cond3A_156 = arith.constant 0 : i32
      %cond3A_157 = arith.cmpi ne, %convert_element_type3A_155, %cond3A_156 : i32
      scf.if %cond3A_157 {
        %dma_wait3A_212 = arith.constant 0 : i32
        %dma_wait3A_213 = arith.constant 0 : i32
        %dma_wait3A_214 = arith.constant 0 : i32
        %dma_wait3A_215 = tpu.memref_slice %arg2[%dma_wait3A_212, %dma_wait3A_213, %dma_wait3A_214] : memref<8192x32x128xf32, #tpu.memory_space<hbm>> -> memref<4x32x128xf32, #tpu.memory_space<hbm>>
        %dma_wait3A_216 = arith.constant 0 : i32
        %dma_wait3A_217 = arith.constant 0 : i32
        %dma_wait3A_218 = arith.constant 0 : i32
        %dma_wait3A_219 = tpu.memref_slice %arg2[%dma_wait3A_216, %dma_wait3A_217, %dma_wait3A_218] : memref<8192x32x128xf32, #tpu.memory_space<hbm>> -> memref<4x32x128xf32, #tpu.memory_space<hbm>>
        tpu.wait_dma2 semaphore(%arg14 : memref<!tpu.dma_semaphore, #tpu.memory_space<semaphore_mem>>) src(%dma_wait3A_219 : memref<4x32x128xf32, #tpu.memory_space<hbm>>) dst(%arg6 : memref<4x32x128xf32, #tpu.memory_space<vmem>>)
        %mul3A_220 = arith.constant 4 : i32
        %mul3A_221 = arith.muli %add3A_152, %mul3A_220 : i32
        %add3A_222 = arith.addi %mul3A_2, %mul3A_221 : i32
        %multiple_of3A_223 = tpu.assume_multiple %add3A_222, 4 : i32
        %dma_start3A = arith.constant 0 : i32
        %dma_start3A_224 = arith.constant 0 : i32
        %dma_start3A_225 = tpu.memref_slice %arg5[%multiple_of3A_223, %dma_start3A, %dma_start3A_224] : memref<8192x32x128xf32, #tpu.memory_space<hbm>> -> memref<4x32x128xf32, #tpu.memory_space<hbm>>
        %dma_start3A_226 = arith.constant 0 : i32
        %dma_start3A_227 = arith.constant 0 : i32
        %dma_start3A_228 = tpu.memref_slice %arg5[%multiple_of3A_223, %dma_start3A_226, %dma_start3A_227] : memref<8192x32x128xf32, #tpu.memory_space<hbm>> -> memref<4x32x128xf32, #tpu.memory_space<hbm>>
        tpu.enqueue_dma source(%arg6 : memref<4x32x128xf32, #tpu.memory_space<vmem>>) target(%dma_start3A_228 : memref<4x32x128xf32, #tpu.memory_space<hbm>>) target_semaphore(%arg21 : memref<!tpu.dma_semaphore, #tpu.memory_space<semaphore_mem>>)
        %add3A_229 = arith.constant 7 : i32
        %add3A_230 = arith.addi %add3A_152, %add3A_229 : i32
        %lt3A_231 = arith.constant 64 : i32
        %lt3A_232 = arith.cmpi slt, %add3A_230, %lt3A_231 : i32
        %convert_element_type3A_233 = arith.extui %lt3A_232 : i1 to i32
        %cond3A_234 = arith.constant 0 : i32
        %cond3A_235 = arith.cmpi ne, %convert_element_type3A_233, %cond3A_234 : i32
        scf.if %cond3A_235 {
          %dma_wait3A_236 = arith.constant 0 : i32
          %dma_wait3A_237 = arith.constant 0 : i32
          %dma_wait3A_238 = arith.constant 0 : i32
          %dma_wait3A_239 = tpu.memref_slice %arg2[%dma_wait3A_236, %dma_wait3A_237, %dma_wait3A_238] : memref<8192x32x128xf32, #tpu.memory_space<hbm>> -> memref<4x32x128xf32, #tpu.memory_space<hbm>>
          %dma_wait3A_240 = arith.constant 0 : i32
          %dma_wait3A_241 = arith.constant 0 : i32
          %dma_wait3A_242 = arith.constant 0 : i32
          %dma_wait3A_243 = tpu.memref_slice %arg2[%dma_wait3A_240, %dma_wait3A_241, %dma_wait3A_242] : memref<8192x32x128xf32, #tpu.memory_space<hbm>> -> memref<4x32x128xf32, #tpu.memory_space<hbm>>
          tpu.wait_dma2 semaphore(%arg21 : memref<!tpu.dma_semaphore, #tpu.memory_space<semaphore_mem>>) src(%dma_wait3A_243 : memref<4x32x128xf32, #tpu.memory_space<hbm>>) dst(%arg6 : memref<4x32x128xf32, #tpu.memory_space<vmem>>)
          %mul3A_244 = arith.constant 4 : i32
          %mul3A_245 = arith.muli %add3A_230, %mul3A_244 : i32
          %add3A_246 = arith.addi %mul3A_2, %mul3A_245 : i32
          %ge3A_247 = arith.cmpi sge, %add3A_246, %squeeze3A : i32
          %add3A_248 = arith.constant 4096 : i32
          %add3A_249 = arith.addi %squeeze3A, %add3A_248 : i32
          %lt3A_250 = arith.cmpi slt, %add3A_246, %add3A_249 : i32
          %and3A_251 = arith.andi %ge3A_247, %lt3A_250 : i1
          %sub3A_252 = arith.subi %add3A_246, %squeeze3A : i32
          %select_n3A_253 = arith.select %and3A_251, %sub3A_252, %add3A_246 : i32
          %multiple_of3A_254 = tpu.assume_multiple %select_n3A_253, 4 : i32
          %convert_element_type3A_255 = arith.extui %and3A_251 : i1 to i32
          %cond3A_256 = arith.constant 0 : i32
          %cond3A_257 = arith.cmpi ne, %convert_element_type3A_255, %cond3A_256 : i32
          scf.if %cond3A_257 {
            %dma_start3A_258 = arith.constant 0 : i32
            %dma_start3A_259 = arith.constant 0 : i32
            %dma_start3A_260 = tpu.memref_slice %arg3[%multiple_of3A_254, %dma_start3A_258, %dma_start3A_259] : memref<4096x32x128xf32, #tpu.memory_space<hbm>> -> memref<4x32x128xf32, #tpu.memory_space<hbm>>
            %dma_start3A_261 = arith.constant 0 : i32
            %dma_start3A_262 = arith.constant 0 : i32
            %dma_start3A_263 = tpu.memref_slice %arg3[%multiple_of3A_254, %dma_start3A_261, %dma_start3A_262] : memref<4096x32x128xf32, #tpu.memory_space<hbm>> -> memref<4x32x128xf32, #tpu.memory_space<hbm>>
            tpu.enqueue_dma source(%dma_start3A_263 : memref<4x32x128xf32, #tpu.memory_space<hbm>>) target(%arg6 : memref<4x32x128xf32, #tpu.memory_space<vmem>>) target_semaphore(%arg14 : memref<!tpu.dma_semaphore, #tpu.memory_space<semaphore_mem>>)
          } else {
            %dma_start3A_258 = arith.constant 0 : i32
            %dma_start3A_259 = arith.constant 0 : i32
            %dma_start3A_260 = tpu.memref_slice %arg2[%multiple_of3A_254, %dma_start3A_258, %dma_start3A_259] : memref<8192x32x128xf32, #tpu.memory_space<hbm>> -> memref<4x32x128xf32, #tpu.memory_space<hbm>>
            %dma_start3A_261 = arith.constant 0 : i32
            %dma_start3A_262 = arith.constant 0 : i32
            %dma_start3A_263 = tpu.memref_slice %arg2[%multiple_of3A_254, %dma_start3A_261, %dma_start3A_262] : memref<8192x32x128xf32, #tpu.memory_space<hbm>> -> memref<4x32x128xf32, #tpu.memory_space<hbm>>
            tpu.enqueue_dma source(%dma_start3A_263 : memref<4x32x128xf32, #tpu.memory_space<hbm>>) target(%arg6 : memref<4x32x128xf32, #tpu.memory_space<vmem>>) target_semaphore(%arg14 : memref<!tpu.dma_semaphore, #tpu.memory_space<semaphore_mem>>)
          }
        } else {
        }
      } else {
      }
      %mul3A_158 = arith.constant 7 : i32
      %mul3A_159 = arith.muli %scan3A_148, %mul3A_158 : i32
      %add3A_160 = arith.constant 1 : i32
      %add3A_161 = arith.addi %mul3A_159, %add3A_160 : i32
      %lt3A_162 = arith.constant 64 : i32
      %lt3A_163 = arith.cmpi slt, %add3A_161, %lt3A_162 : i32
      %convert_element_type3A_164 = arith.extui %lt3A_163 : i1 to i32
      %cond3A_165 = arith.constant 0 : i32
      %cond3A_166 = arith.cmpi ne, %convert_element_type3A_164, %cond3A_165 : i32
      scf.if %cond3A_166 {
        %dma_wait3A_212 = arith.constant 0 : i32
        %dma_wait3A_213 = arith.constant 0 : i32
        %dma_wait3A_214 = arith.constant 0 : i32
        %dma_wait3A_215 = tpu.memref_slice %arg2[%dma_wait3A_212, %dma_wait3A_213, %dma_wait3A_214] : memref<8192x32x128xf32, #tpu.memory_space<hbm>> -> memref<4x32x128xf32, #tpu.memory_space<hbm>>
        %dma_wait3A_216 = arith.constant 0 : i32
        %dma_wait3A_217 = arith.constant 0 : i32
        %dma_wait3A_218 = arith.constant 0 : i32
        %dma_wait3A_219 = tpu.memref_slice %arg2[%dma_wait3A_216, %dma_wait3A_217, %dma_wait3A_218] : memref<8192x32x128xf32, #tpu.memory_space<hbm>> -> memref<4x32x128xf32, #tpu.memory_space<hbm>>
        tpu.wait_dma2 semaphore(%arg15 : memref<!tpu.dma_semaphore, #tpu.memory_space<semaphore_mem>>) src(%dma_wait3A_219 : memref<4x32x128xf32, #tpu.memory_space<hbm>>) dst(%arg7 : memref<4x32x128xf32, #tpu.memory_space<vmem>>)
        %mul3A_220 = arith.constant 4 : i32
        %mul3A_221 = arith.muli %add3A_161, %mul3A_220 : i32
        %add3A_222 = arith.addi %mul3A_2, %mul3A_221 : i32
        %multiple_of3A_223 = tpu.assume_multiple %add3A_222, 4 : i32
        %dma_start3A = arith.constant 0 : i32
        %dma_start3A_224 = arith.constant 0 : i32
        %dma_start3A_225 = tpu.memref_slice %arg5[%multiple_of3A_223, %dma_start3A, %dma_start3A_224] : memref<8192x32x128xf32, #tpu.memory_space<hbm>> -> memref<4x32x128xf32, #tpu.memory_space<hbm>>
        %dma_start3A_226 = arith.constant 0 : i32
        %dma_start3A_227 = arith.constant 0 : i32
        %dma_start3A_228 = tpu.memref_slice %arg5[%multiple_of3A_223, %dma_start3A_226, %dma_start3A_227] : memref<8192x32x128xf32, #tpu.memory_space<hbm>> -> memref<4x32x128xf32, #tpu.memory_space<hbm>>
        tpu.enqueue_dma source(%arg7 : memref<4x32x128xf32, #tpu.memory_space<vmem>>) target(%dma_start3A_228 : memref<4x32x128xf32, #tpu.memory_space<hbm>>) target_semaphore(%arg22 : memref<!tpu.dma_semaphore, #tpu.memory_space<semaphore_mem>>)
        %add3A_229 = arith.constant 7 : i32
        %add3A_230 = arith.addi %add3A_161, %add3A_229 : i32
        %lt3A_231 = arith.constant 64 : i32
        %lt3A_232 = arith.cmpi slt, %add3A_230, %lt3A_231 : i32
        %convert_element_type3A_233 = arith.extui %lt3A_232 : i1 to i32
        %cond3A_234 = arith.constant 0 : i32
        %cond3A_235 = arith.cmpi ne, %convert_element_type3A_233, %cond3A_234 : i32
        scf.if %cond3A_235 {
          %dma_wait3A_236 = arith.constant 0 : i32
          %dma_wait3A_237 = arith.constant 0 : i32
          %dma_wait3A_238 = arith.constant 0 : i32
          %dma_wait3A_239 = tpu.memref_slice %arg2[%dma_wait3A_236, %dma_wait3A_237, %dma_wait3A_238] : memref<8192x32x128xf32, #tpu.memory_space<hbm>> -> memref<4x32x128xf32, #tpu.memory_space<hbm>>
          %dma_wait3A_240 = arith.constant 0 : i32
          %dma_wait3A_241 = arith.constant 0 : i32
          %dma_wait3A_242 = arith.constant 0 : i32
          %dma_wait3A_243 = tpu.memref_slice %arg2[%dma_wait3A_240, %dma_wait3A_241, %dma_wait3A_242] : memref<8192x32x128xf32, #tpu.memory_space<hbm>> -> memref<4x32x128xf32, #tpu.memory_space<hbm>>
          tpu.wait_dma2 semaphore(%arg22 : memref<!tpu.dma_semaphore, #tpu.memory_space<semaphore_mem>>) src(%dma_wait3A_243 : memref<4x32x128xf32, #tpu.memory_space<hbm>>) dst(%arg7 : memref<4x32x128xf32, #tpu.memory_space<vmem>>)
          %mul3A_244 = arith.constant 4 : i32
          %mul3A_245 = arith.muli %add3A_230, %mul3A_244 : i32
          %add3A_246 = arith.addi %mul3A_2, %mul3A_245 : i32
          %ge3A_247 = arith.cmpi sge, %add3A_246, %squeeze3A : i32
          %add3A_248 = arith.constant 4096 : i32
          %add3A_249 = arith.addi %squeeze3A, %add3A_248 : i32
          %lt3A_250 = arith.cmpi slt, %add3A_246, %add3A_249 : i32
          %and3A_251 = arith.andi %ge3A_247, %lt3A_250 : i1
          %sub3A_252 = arith.subi %add3A_246, %squeeze3A : i32
          %select_n3A_253 = arith.select %and3A_251, %sub3A_252, %add3A_246 : i32
          %multiple_of3A_254 = tpu.assume_multiple %select_n3A_253, 4 : i32
          %convert_element_type3A_255 = arith.extui %and3A_251 : i1 to i32
          %cond3A_256 = arith.constant 0 : i32
          %cond3A_257 = arith.cmpi ne, %convert_element_type3A_255, %cond3A_256 : i32
          scf.if %cond3A_257 {
            %dma_start3A_258 = arith.constant 0 : i32
            %dma_start3A_259 = arith.constant 0 : i32
            %dma_start3A_260 = tpu.memref_slice %arg3[%multiple_of3A_254, %dma_start3A_258, %dma_start3A_259] : memref<4096x32x128xf32, #tpu.memory_space<hbm>> -> memref<4x32x128xf32, #tpu.memory_space<hbm>>
            %dma_start3A_261 = arith.constant 0 : i32
            %dma_start3A_262 = arith.constant 0 : i32
            %dma_start3A_263 = tpu.memref_slice %arg3[%multiple_of3A_254, %dma_start3A_261, %dma_start3A_262] : memref<4096x32x128xf32, #tpu.memory_space<hbm>> -> memref<4x32x128xf32, #tpu.memory_space<hbm>>
            tpu.enqueue_dma source(%dma_start3A_263 : memref<4x32x128xf32, #tpu.memory_space<hbm>>) target(%arg7 : memref<4x32x128xf32, #tpu.memory_space<vmem>>) target_semaphore(%arg15 : memref<!tpu.dma_semaphore, #tpu.memory_space<semaphore_mem>>)
          } else {
            %dma_start3A_258 = arith.constant 0 : i32
            %dma_start3A_259 = arith.constant 0 : i32
            %dma_start3A_260 = tpu.memref_slice %arg2[%multiple_of3A_254, %dma_start3A_258, %dma_start3A_259] : memref<8192x32x128xf32, #tpu.memory_space<hbm>> -> memref<4x32x128xf32, #tpu.memory_space<hbm>>
            %dma_start3A_261 = arith.constant 0 : i32
            %dma_start3A_262 = arith.constant 0 : i32
            %dma_start3A_263 = tpu.memref_slice %arg2[%multiple_of3A_254, %dma_start3A_261, %dma_start3A_262] : memref<8192x32x128xf32, #tpu.memory_space<hbm>> -> memref<4x32x128xf32, #tpu.memory_space<hbm>>
            tpu.enqueue_dma source(%dma_start3A_263 : memref<4x32x128xf32, #tpu.memory_space<hbm>>) target(%arg7 : memref<4x32x128xf32, #tpu.memory_space<vmem>>) target_semaphore(%arg15 : memref<!tpu.dma_semaphore, #tpu.memory_space<semaphore_mem>>)
          }
        } else {
        }
      } else {
      }
      %mul3A_167 = arith.constant 7 : i32
      %mul3A_168 = arith.muli %scan3A_148, %mul3A_167 : i32
      %add3A_169 = arith.constant 2 : i32
      %add3A_170 = arith.addi %mul3A_168, %add3A_169 : i32
      %lt3A_171 = arith.constant 64 : i32
      %lt3A_172 = arith.cmpi slt, %add3A_170, %lt3A_171 : i32
      %convert_element_type3A_173 = arith.extui %lt3A_172 : i1 to i32
      %cond3A_174 = arith.constant 0 : i32
      %cond3A_175 = arith.cmpi ne, %convert_element_type3A_173, %cond3A_174 : i32
      scf.if %cond3A_175 {
        %dma_wait3A_212 = arith.constant 0 : i32
        %dma_wait3A_213 = arith.constant 0 : i32
        %dma_wait3A_214 = arith.constant 0 : i32
        %dma_wait3A_215 = tpu.memref_slice %arg2[%dma_wait3A_212, %dma_wait3A_213, %dma_wait3A_214] : memref<8192x32x128xf32, #tpu.memory_space<hbm>> -> memref<4x32x128xf32, #tpu.memory_space<hbm>>
        %dma_wait3A_216 = arith.constant 0 : i32
        %dma_wait3A_217 = arith.constant 0 : i32
        %dma_wait3A_218 = arith.constant 0 : i32
        %dma_wait3A_219 = tpu.memref_slice %arg2[%dma_wait3A_216, %dma_wait3A_217, %dma_wait3A_218] : memref<8192x32x128xf32, #tpu.memory_space<hbm>> -> memref<4x32x128xf32, #tpu.memory_space<hbm>>
        tpu.wait_dma2 semaphore(%arg16 : memref<!tpu.dma_semaphore, #tpu.memory_space<semaphore_mem>>) src(%dma_wait3A_219 : memref<4x32x128xf32, #tpu.memory_space<hbm>>) dst(%arg8 : memref<4x32x128xf32, #tpu.memory_space<vmem>>)
        %mul3A_220 = arith.constant 4 : i32
        %mul3A_221 = arith.muli %add3A_170, %mul3A_220 : i32
        %add3A_222 = arith.addi %mul3A_2, %mul3A_221 : i32
        %multiple_of3A_223 = tpu.assume_multiple %add3A_222, 4 : i32
        %dma_start3A = arith.constant 0 : i32
        %dma_start3A_224 = arith.constant 0 : i32
        %dma_start3A_225 = tpu.memref_slice %arg5[%multiple_of3A_223, %dma_start3A, %dma_start3A_224] : memref<8192x32x128xf32, #tpu.memory_space<hbm>> -> memref<4x32x128xf32, #tpu.memory_space<hbm>>
        %dma_start3A_226 = arith.constant 0 : i32
        %dma_start3A_227 = arith.constant 0 : i32
        %dma_start3A_228 = tpu.memref_slice %arg5[%multiple_of3A_223, %dma_start3A_226, %dma_start3A_227] : memref<8192x32x128xf32, #tpu.memory_space<hbm>> -> memref<4x32x128xf32, #tpu.memory_space<hbm>>
        tpu.enqueue_dma source(%arg8 : memref<4x32x128xf32, #tpu.memory_space<vmem>>) target(%dma_start3A_228 : memref<4x32x128xf32, #tpu.memory_space<hbm>>) target_semaphore(%arg23 : memref<!tpu.dma_semaphore, #tpu.memory_space<semaphore_mem>>)
        %add3A_229 = arith.constant 7 : i32
        %add3A_230 = arith.addi %add3A_170, %add3A_229 : i32
        %lt3A_231 = arith.constant 64 : i32
        %lt3A_232 = arith.cmpi slt, %add3A_230, %lt3A_231 : i32
        %convert_element_type3A_233 = arith.extui %lt3A_232 : i1 to i32
        %cond3A_234 = arith.constant 0 : i32
        %cond3A_235 = arith.cmpi ne, %convert_element_type3A_233, %cond3A_234 : i32
        scf.if %cond3A_235 {
          %dma_wait3A_236 = arith.constant 0 : i32
          %dma_wait3A_237 = arith.constant 0 : i32
          %dma_wait3A_238 = arith.constant 0 : i32
          %dma_wait3A_239 = tpu.memref_slice %arg2[%dma_wait3A_236, %dma_wait3A_237, %dma_wait3A_238] : memref<8192x32x128xf32, #tpu.memory_space<hbm>> -> memref<4x32x128xf32, #tpu.memory_space<hbm>>
          %dma_wait3A_240 = arith.constant 0 : i32
          %dma_wait3A_241 = arith.constant 0 : i32
          %dma_wait3A_242 = arith.constant 0 : i32
          %dma_wait3A_243 = tpu.memref_slice %arg2[%dma_wait3A_240, %dma_wait3A_241, %dma_wait3A_242] : memref<8192x32x128xf32, #tpu.memory_space<hbm>> -> memref<4x32x128xf32, #tpu.memory_space<hbm>>
          tpu.wait_dma2 semaphore(%arg23 : memref<!tpu.dma_semaphore, #tpu.memory_space<semaphore_mem>>) src(%dma_wait3A_243 : memref<4x32x128xf32, #tpu.memory_space<hbm>>) dst(%arg8 : memref<4x32x128xf32, #tpu.memory_space<vmem>>)
          %mul3A_244 = arith.constant 4 : i32
          %mul3A_245 = arith.muli %add3A_230, %mul3A_244 : i32
          %add3A_246 = arith.addi %mul3A_2, %mul3A_245 : i32
          %ge3A_247 = arith.cmpi sge, %add3A_246, %squeeze3A : i32
          %add3A_248 = arith.constant 4096 : i32
          %add3A_249 = arith.addi %squeeze3A, %add3A_248 : i32
          %lt3A_250 = arith.cmpi slt, %add3A_246, %add3A_249 : i32
          %and3A_251 = arith.andi %ge3A_247, %lt3A_250 : i1
          %sub3A_252 = arith.subi %add3A_246, %squeeze3A : i32
          %select_n3A_253 = arith.select %and3A_251, %sub3A_252, %add3A_246 : i32
          %multiple_of3A_254 = tpu.assume_multiple %select_n3A_253, 4 : i32
          %convert_element_type3A_255 = arith.extui %and3A_251 : i1 to i32
          %cond3A_256 = arith.constant 0 : i32
          %cond3A_257 = arith.cmpi ne, %convert_element_type3A_255, %cond3A_256 : i32
          scf.if %cond3A_257 {
            %dma_start3A_258 = arith.constant 0 : i32
            %dma_start3A_259 = arith.constant 0 : i32
            %dma_start3A_260 = tpu.memref_slice %arg3[%multiple_of3A_254, %dma_start3A_258, %dma_start3A_259] : memref<4096x32x128xf32, #tpu.memory_space<hbm>> -> memref<4x32x128xf32, #tpu.memory_space<hbm>>
            %dma_start3A_261 = arith.constant 0 : i32
            %dma_start3A_262 = arith.constant 0 : i32
            %dma_start3A_263 = tpu.memref_slice %arg3[%multiple_of3A_254, %dma_start3A_261, %dma_start3A_262] : memref<4096x32x128xf32, #tpu.memory_space<hbm>> -> memref<4x32x128xf32, #tpu.memory_space<hbm>>
            tpu.enqueue_dma source(%dma_start3A_263 : memref<4x32x128xf32, #tpu.memory_space<hbm>>) target(%arg8 : memref<4x32x128xf32, #tpu.memory_space<vmem>>) target_semaphore(%arg16 : memref<!tpu.dma_semaphore, #tpu.memory_space<semaphore_mem>>)
          } else {
            %dma_start3A_258 = arith.constant 0 : i32
            %dma_start3A_259 = arith.constant 0 : i32
            %dma_start3A_260 = tpu.memref_slice %arg2[%multiple_of3A_254, %dma_start3A_258, %dma_start3A_259] : memref<8192x32x128xf32, #tpu.memory_space<hbm>> -> memref<4x32x128xf32, #tpu.memory_space<hbm>>
            %dma_start3A_261 = arith.constant 0 : i32
            %dma_start3A_262 = arith.constant 0 : i32
            %dma_start3A_263 = tpu.memref_slice %arg2[%multiple_of3A_254, %dma_start3A_261, %dma_start3A_262] : memref<8192x32x128xf32, #tpu.memory_space<hbm>> -> memref<4x32x128xf32, #tpu.memory_space<hbm>>
            tpu.enqueue_dma source(%dma_start3A_263 : memref<4x32x128xf32, #tpu.memory_space<hbm>>) target(%arg8 : memref<4x32x128xf32, #tpu.memory_space<vmem>>) target_semaphore(%arg16 : memref<!tpu.dma_semaphore, #tpu.memory_space<semaphore_mem>>)
          }
        } else {
        }
      } else {
      }
      %mul3A_176 = arith.constant 7 : i32
      %mul3A_177 = arith.muli %scan3A_148, %mul3A_176 : i32
      %add3A_178 = arith.constant 3 : i32
      %add3A_179 = arith.addi %mul3A_177, %add3A_178 : i32
      %lt3A_180 = arith.constant 64 : i32
      %lt3A_181 = arith.cmpi slt, %add3A_179, %lt3A_180 : i32
      %convert_element_type3A_182 = arith.extui %lt3A_181 : i1 to i32
      %cond3A_183 = arith.constant 0 : i32
      %cond3A_184 = arith.cmpi ne, %convert_element_type3A_182, %cond3A_183 : i32
      scf.if %cond3A_184 {
        %dma_wait3A_212 = arith.constant 0 : i32
        %dma_wait3A_213 = arith.constant 0 : i32
        %dma_wait3A_214 = arith.constant 0 : i32
        %dma_wait3A_215 = tpu.memref_slice %arg2[%dma_wait3A_212, %dma_wait3A_213, %dma_wait3A_214] : memref<8192x32x128xf32, #tpu.memory_space<hbm>> -> memref<4x32x128xf32, #tpu.memory_space<hbm>>
        %dma_wait3A_216 = arith.constant 0 : i32
        %dma_wait3A_217 = arith.constant 0 : i32
        %dma_wait3A_218 = arith.constant 0 : i32
        %dma_wait3A_219 = tpu.memref_slice %arg2[%dma_wait3A_216, %dma_wait3A_217, %dma_wait3A_218] : memref<8192x32x128xf32, #tpu.memory_space<hbm>> -> memref<4x32x128xf32, #tpu.memory_space<hbm>>
        tpu.wait_dma2 semaphore(%arg17 : memref<!tpu.dma_semaphore, #tpu.memory_space<semaphore_mem>>) src(%dma_wait3A_219 : memref<4x32x128xf32, #tpu.memory_space<hbm>>) dst(%arg9 : memref<4x32x128xf32, #tpu.memory_space<vmem>>)
        %mul3A_220 = arith.constant 4 : i32
        %mul3A_221 = arith.muli %add3A_179, %mul3A_220 : i32
        %add3A_222 = arith.addi %mul3A_2, %mul3A_221 : i32
        %multiple_of3A_223 = tpu.assume_multiple %add3A_222, 4 : i32
        %dma_start3A = arith.constant 0 : i32
        %dma_start3A_224 = arith.constant 0 : i32
        %dma_start3A_225 = tpu.memref_slice %arg5[%multiple_of3A_223, %dma_start3A, %dma_start3A_224] : memref<8192x32x128xf32, #tpu.memory_space<hbm>> -> memref<4x32x128xf32, #tpu.memory_space<hbm>>
        %dma_start3A_226 = arith.constant 0 : i32
        %dma_start3A_227 = arith.constant 0 : i32
        %dma_start3A_228 = tpu.memref_slice %arg5[%multiple_of3A_223, %dma_start3A_226, %dma_start3A_227] : memref<8192x32x128xf32, #tpu.memory_space<hbm>> -> memref<4x32x128xf32, #tpu.memory_space<hbm>>
        tpu.enqueue_dma source(%arg9 : memref<4x32x128xf32, #tpu.memory_space<vmem>>) target(%dma_start3A_228 : memref<4x32x128xf32, #tpu.memory_space<hbm>>) target_semaphore(%arg24 : memref<!tpu.dma_semaphore, #tpu.memory_space<semaphore_mem>>)
        %add3A_229 = arith.constant 7 : i32
        %add3A_230 = arith.addi %add3A_179, %add3A_229 : i32
        %lt3A_231 = arith.constant 64 : i32
        %lt3A_232 = arith.cmpi slt, %add3A_230, %lt3A_231 : i32
        %convert_element_type3A_233 = arith.extui %lt3A_232 : i1 to i32
        %cond3A_234 = arith.constant 0 : i32
        %cond3A_235 = arith.cmpi ne, %convert_element_type3A_233, %cond3A_234 : i32
        scf.if %cond3A_235 {
          %dma_wait3A_236 = arith.constant 0 : i32
          %dma_wait3A_237 = arith.constant 0 : i32
          %dma_wait3A_238 = arith.constant 0 : i32
          %dma_wait3A_239 = tpu.memref_slice %arg2[%dma_wait3A_236, %dma_wait3A_237, %dma_wait3A_238] : memref<8192x32x128xf32, #tpu.memory_space<hbm>> -> memref<4x32x128xf32, #tpu.memory_space<hbm>>
          %dma_wait3A_240 = arith.constant 0 : i32
          %dma_wait3A_241 = arith.constant 0 : i32
          %dma_wait3A_242 = arith.constant 0 : i32
          %dma_wait3A_243 = tpu.memref_slice %arg2[%dma_wait3A_240, %dma_wait3A_241, %dma_wait3A_242] : memref<8192x32x128xf32, #tpu.memory_space<hbm>> -> memref<4x32x128xf32, #tpu.memory_space<hbm>>
          tpu.wait_dma2 semaphore(%arg24 : memref<!tpu.dma_semaphore, #tpu.memory_space<semaphore_mem>>) src(%dma_wait3A_243 : memref<4x32x128xf32, #tpu.memory_space<hbm>>) dst(%arg9 : memref<4x32x128xf32, #tpu.memory_space<vmem>>)
          %mul3A_244 = arith.constant 4 : i32
          %mul3A_245 = arith.muli %add3A_230, %mul3A_244 : i32
          %add3A_246 = arith.addi %mul3A_2, %mul3A_245 : i32
          %ge3A_247 = arith.cmpi sge, %add3A_246, %squeeze3A : i32
          %add3A_248 = arith.constant 4096 : i32
          %add3A_249 = arith.addi %squeeze3A, %add3A_248 : i32
          %lt3A_250 = arith.cmpi slt, %add3A_246, %add3A_249 : i32
          %and3A_251 = arith.andi %ge3A_247, %lt3A_250 : i1
          %sub3A_252 = arith.subi %add3A_246, %squeeze3A : i32
          %select_n3A_253 = arith.select %and3A_251, %sub3A_252, %add3A_246 : i32
          %multiple_of3A_254 = tpu.assume_multiple %select_n3A_253, 4 : i32
          %convert_element_type3A_255 = arith.extui %and3A_251 : i1 to i32
          %cond3A_256 = arith.constant 0 : i32
          %cond3A_257 = arith.cmpi ne, %convert_element_type3A_255, %cond3A_256 : i32
          scf.if %cond3A_257 {
            %dma_start3A_258 = arith.constant 0 : i32
            %dma_start3A_259 = arith.constant 0 : i32
            %dma_start3A_260 = tpu.memref_slice %arg3[%multiple_of3A_254, %dma_start3A_258, %dma_start3A_259] : memref<4096x32x128xf32, #tpu.memory_space<hbm>> -> memref<4x32x128xf32, #tpu.memory_space<hbm>>
            %dma_start3A_261 = arith.constant 0 : i32
            %dma_start3A_262 = arith.constant 0 : i32
            %dma_start3A_263 = tpu.memref_slice %arg3[%multiple_of3A_254, %dma_start3A_261, %dma_start3A_262] : memref<4096x32x128xf32, #tpu.memory_space<hbm>> -> memref<4x32x128xf32, #tpu.memory_space<hbm>>
            tpu.enqueue_dma source(%dma_start3A_263 : memref<4x32x128xf32, #tpu.memory_space<hbm>>) target(%arg9 : memref<4x32x128xf32, #tpu.memory_space<vmem>>) target_semaphore(%arg17 : memref<!tpu.dma_semaphore, #tpu.memory_space<semaphore_mem>>)
          } else {
            %dma_start3A_258 = arith.constant 0 : i32
            %dma_start3A_259 = arith.constant 0 : i32
            %dma_start3A_260 = tpu.memref_slice %arg2[%multiple_of3A_254, %dma_start3A_258, %dma_start3A_259] : memref<8192x32x128xf32, #tpu.memory_space<hbm>> -> memref<4x32x128xf32, #tpu.memory_space<hbm>>
            %dma_start3A_261 = arith.constant 0 : i32
            %dma_start3A_262 = arith.constant 0 : i32
            %dma_start3A_263 = tpu.memref_slice %arg2[%multiple_of3A_254, %dma_start3A_261, %dma_start3A_262] : memref<8192x32x128xf32, #tpu.memory_space<hbm>> -> memref<4x32x128xf32, #tpu.memory_space<hbm>>
            tpu.enqueue_dma source(%dma_start3A_263 : memref<4x32x128xf32, #tpu.memory_space<hbm>>) target(%arg9 : memref<4x32x128xf32, #tpu.memory_space<vmem>>) target_semaphore(%arg17 : memref<!tpu.dma_semaphore, #tpu.memory_space<semaphore_mem>>)
          }
        } else {
        }
      } else {
      }
      %mul3A_185 = arith.constant 7 : i32
      %mul3A_186 = arith.muli %scan3A_148, %mul3A_185 : i32
      %add3A_187 = arith.constant 4 : i32
      %add3A_188 = arith.addi %mul3A_186, %add3A_187 : i32
      %lt3A_189 = arith.constant 64 : i32
      %lt3A_190 = arith.cmpi slt, %add3A_188, %lt3A_189 : i32
      %convert_element_type3A_191 = arith.extui %lt3A_190 : i1 to i32
      %cond3A_192 = arith.constant 0 : i32
      %cond3A_193 = arith.cmpi ne, %convert_element_type3A_191, %cond3A_192 : i32
      scf.if %cond3A_193 {
        %dma_wait3A_212 = arith.constant 0 : i32
        %dma_wait3A_213 = arith.constant 0 : i32
        %dma_wait3A_214 = arith.constant 0 : i32
        %dma_wait3A_215 = tpu.memref_slice %arg2[%dma_wait3A_212, %dma_wait3A_213, %dma_wait3A_214] : memref<8192x32x128xf32, #tpu.memory_space<hbm>> -> memref<4x32x128xf32, #tpu.memory_space<hbm>>
        %dma_wait3A_216 = arith.constant 0 : i32
        %dma_wait3A_217 = arith.constant 0 : i32
        %dma_wait3A_218 = arith.constant 0 : i32
        %dma_wait3A_219 = tpu.memref_slice %arg2[%dma_wait3A_216, %dma_wait3A_217, %dma_wait3A_218] : memref<8192x32x128xf32, #tpu.memory_space<hbm>> -> memref<4x32x128xf32, #tpu.memory_space<hbm>>
        tpu.wait_dma2 semaphore(%arg18 : memref<!tpu.dma_semaphore, #tpu.memory_space<semaphore_mem>>) src(%dma_wait3A_219 : memref<4x32x128xf32, #tpu.memory_space<hbm>>) dst(%arg10 : memref<4x32x128xf32, #tpu.memory_space<vmem>>)
        %mul3A_220 = arith.constant 4 : i32
        %mul3A_221 = arith.muli %add3A_188, %mul3A_220 : i32
        %add3A_222 = arith.addi %mul3A_2, %mul3A_221 : i32
        %multiple_of3A_223 = tpu.assume_multiple %add3A_222, 4 : i32
        %dma_start3A = arith.constant 0 : i32
        %dma_start3A_224 = arith.constant 0 : i32
        %dma_start3A_225 = tpu.memref_slice %arg5[%multiple_of3A_223, %dma_start3A, %dma_start3A_224] : memref<8192x32x128xf32, #tpu.memory_space<hbm>> -> memref<4x32x128xf32, #tpu.memory_space<hbm>>
        %dma_start3A_226 = arith.constant 0 : i32
        %dma_start3A_227 = arith.constant 0 : i32
        %dma_start3A_228 = tpu.memref_slice %arg5[%multiple_of3A_223, %dma_start3A_226, %dma_start3A_227] : memref<8192x32x128xf32, #tpu.memory_space<hbm>> -> memref<4x32x128xf32, #tpu.memory_space<hbm>>
        tpu.enqueue_dma source(%arg10 : memref<4x32x128xf32, #tpu.memory_space<vmem>>) target(%dma_start3A_228 : memref<4x32x128xf32, #tpu.memory_space<hbm>>) target_semaphore(%arg25 : memref<!tpu.dma_semaphore, #tpu.memory_space<semaphore_mem>>)
        %add3A_229 = arith.constant 7 : i32
        %add3A_230 = arith.addi %add3A_188, %add3A_229 : i32
        %lt3A_231 = arith.constant 64 : i32
        %lt3A_232 = arith.cmpi slt, %add3A_230, %lt3A_231 : i32
        %convert_element_type3A_233 = arith.extui %lt3A_232 : i1 to i32
        %cond3A_234 = arith.constant 0 : i32
        %cond3A_235 = arith.cmpi ne, %convert_element_type3A_233, %cond3A_234 : i32
        scf.if %cond3A_235 {
          %dma_wait3A_236 = arith.constant 0 : i32
          %dma_wait3A_237 = arith.constant 0 : i32
          %dma_wait3A_238 = arith.constant 0 : i32
          %dma_wait3A_239 = tpu.memref_slice %arg2[%dma_wait3A_236, %dma_wait3A_237, %dma_wait3A_238] : memref<8192x32x128xf32, #tpu.memory_space<hbm>> -> memref<4x32x128xf32, #tpu.memory_space<hbm>>
          %dma_wait3A_240 = arith.constant 0 : i32
          %dma_wait3A_241 = arith.constant 0 : i32
          %dma_wait3A_242 = arith.constant 0 : i32
          %dma_wait3A_243 = tpu.memref_slice %arg2[%dma_wait3A_240, %dma_wait3A_241, %dma_wait3A_242] : memref<8192x32x128xf32, #tpu.memory_space<hbm>> -> memref<4x32x128xf32, #tpu.memory_space<hbm>>
          tpu.wait_dma2 semaphore(%arg25 : memref<!tpu.dma_semaphore, #tpu.memory_space<semaphore_mem>>) src(%dma_wait3A_243 : memref<4x32x128xf32, #tpu.memory_space<hbm>>) dst(%arg10 : memref<4x32x128xf32, #tpu.memory_space<vmem>>)
          %mul3A_244 = arith.constant 4 : i32
          %mul3A_245 = arith.muli %add3A_230, %mul3A_244 : i32
          %add3A_246 = arith.addi %mul3A_2, %mul3A_245 : i32
          %ge3A_247 = arith.cmpi sge, %add3A_246, %squeeze3A : i32
          %add3A_248 = arith.constant 4096 : i32
          %add3A_249 = arith.addi %squeeze3A, %add3A_248 : i32
          %lt3A_250 = arith.cmpi slt, %add3A_246, %add3A_249 : i32
          %and3A_251 = arith.andi %ge3A_247, %lt3A_250 : i1
          %sub3A_252 = arith.subi %add3A_246, %squeeze3A : i32
          %select_n3A_253 = arith.select %and3A_251, %sub3A_252, %add3A_246 : i32
          %multiple_of3A_254 = tpu.assume_multiple %select_n3A_253, 4 : i32
          %convert_element_type3A_255 = arith.extui %and3A_251 : i1 to i32
          %cond3A_256 = arith.constant 0 : i32
          %cond3A_257 = arith.cmpi ne, %convert_element_type3A_255, %cond3A_256 : i32
          scf.if %cond3A_257 {
            %dma_start3A_258 = arith.constant 0 : i32
            %dma_start3A_259 = arith.constant 0 : i32
            %dma_start3A_260 = tpu.memref_slice %arg3[%multiple_of3A_254, %dma_start3A_258, %dma_start3A_259] : memref<4096x32x128xf32, #tpu.memory_space<hbm>> -> memref<4x32x128xf32, #tpu.memory_space<hbm>>
            %dma_start3A_261 = arith.constant 0 : i32
            %dma_start3A_262 = arith.constant 0 : i32
            %dma_start3A_263 = tpu.memref_slice %arg3[%multiple_of3A_254, %dma_start3A_261, %dma_start3A_262] : memref<4096x32x128xf32, #tpu.memory_space<hbm>> -> memref<4x32x128xf32, #tpu.memory_space<hbm>>
            tpu.enqueue_dma source(%dma_start3A_263 : memref<4x32x128xf32, #tpu.memory_space<hbm>>) target(%arg10 : memref<4x32x128xf32, #tpu.memory_space<vmem>>) target_semaphore(%arg18 : memref<!tpu.dma_semaphore, #tpu.memory_space<semaphore_mem>>)
          } else {
            %dma_start3A_258 = arith.constant 0 : i32
            %dma_start3A_259 = arith.constant 0 : i32
            %dma_start3A_260 = tpu.memref_slice %arg2[%multiple_of3A_254, %dma_start3A_258, %dma_start3A_259] : memref<8192x32x128xf32, #tpu.memory_space<hbm>> -> memref<4x32x128xf32, #tpu.memory_space<hbm>>
            %dma_start3A_261 = arith.constant 0 : i32
            %dma_start3A_262 = arith.constant 0 : i32
            %dma_start3A_263 = tpu.memref_slice %arg2[%multiple_of3A_254, %dma_start3A_261, %dma_start3A_262] : memref<8192x32x128xf32, #tpu.memory_space<hbm>> -> memref<4x32x128xf32, #tpu.memory_space<hbm>>
            tpu.enqueue_dma source(%dma_start3A_263 : memref<4x32x128xf32, #tpu.memory_space<hbm>>) target(%arg10 : memref<4x32x128xf32, #tpu.memory_space<vmem>>) target_semaphore(%arg18 : memref<!tpu.dma_semaphore, #tpu.memory_space<semaphore_mem>>)
          }
        } else {
        }
      } else {
      }
      %mul3A_194 = arith.constant 7 : i32
      %mul3A_195 = arith.muli %scan3A_148, %mul3A_194 : i32
      %add3A_196 = arith.constant 5 : i32
      %add3A_197 = arith.addi %mul3A_195, %add3A_196 : i32
      %lt3A_198 = arith.constant 64 : i32
      %lt3A_199 = arith.cmpi slt, %add3A_197, %lt3A_198 : i32
      %convert_element_type3A_200 = arith.extui %lt3A_199 : i1 to i32
      %cond3A_201 = arith.constant 0 : i32
      %cond3A_202 = arith.cmpi ne, %convert_element_type3A_200, %cond3A_201 : i32
      scf.if %cond3A_202 {
        %dma_wait3A_212 = arith.constant 0 : i32
        %dma_wait3A_213 = arith.constant 0 : i32
        %dma_wait3A_214 = arith.constant 0 : i32
        %dma_wait3A_215 = tpu.memref_slice %arg2[%dma_wait3A_212, %dma_wait3A_213, %dma_wait3A_214] : memref<8192x32x128xf32, #tpu.memory_space<hbm>> -> memref<4x32x128xf32, #tpu.memory_space<hbm>>
        %dma_wait3A_216 = arith.constant 0 : i32
        %dma_wait3A_217 = arith.constant 0 : i32
        %dma_wait3A_218 = arith.constant 0 : i32
        %dma_wait3A_219 = tpu.memref_slice %arg2[%dma_wait3A_216, %dma_wait3A_217, %dma_wait3A_218] : memref<8192x32x128xf32, #tpu.memory_space<hbm>> -> memref<4x32x128xf32, #tpu.memory_space<hbm>>
        tpu.wait_dma2 semaphore(%arg19 : memref<!tpu.dma_semaphore, #tpu.memory_space<semaphore_mem>>) src(%dma_wait3A_219 : memref<4x32x128xf32, #tpu.memory_space<hbm>>) dst(%arg11 : memref<4x32x128xf32, #tpu.memory_space<vmem>>)
        %mul3A_220 = arith.constant 4 : i32
        %mul3A_221 = arith.muli %add3A_197, %mul3A_220 : i32
        %add3A_222 = arith.addi %mul3A_2, %mul3A_221 : i32
        %multiple_of3A_223 = tpu.assume_multiple %add3A_222, 4 : i32
        %dma_start3A = arith.constant 0 : i32
        %dma_start3A_224 = arith.constant 0 : i32
        %dma_start3A_225 = tpu.memref_slice %arg5[%multiple_of3A_223, %dma_start3A, %dma_start3A_224] : memref<8192x32x128xf32, #tpu.memory_space<hbm>> -> memref<4x32x128xf32, #tpu.memory_space<hbm>>
        %dma_start3A_226 = arith.constant 0 : i32
        %dma_start3A_227 = arith.constant 0 : i32
        %dma_start3A_228 = tpu.memref_slice %arg5[%multiple_of3A_223, %dma_start3A_226, %dma_start3A_227] : memref<8192x32x128xf32, #tpu.memory_space<hbm>> -> memref<4x32x128xf32, #tpu.memory_space<hbm>>
        tpu.enqueue_dma source(%arg11 : memref<4x32x128xf32, #tpu.memory_space<vmem>>) target(%dma_start3A_228 : memref<4x32x128xf32, #tpu.memory_space<hbm>>) target_semaphore(%arg26 : memref<!tpu.dma_semaphore, #tpu.memory_space<semaphore_mem>>)
        %add3A_229 = arith.constant 7 : i32
        %add3A_230 = arith.addi %add3A_197, %add3A_229 : i32
        %lt3A_231 = arith.constant 64 : i32
        %lt3A_232 = arith.cmpi slt, %add3A_230, %lt3A_231 : i32
        %convert_element_type3A_233 = arith.extui %lt3A_232 : i1 to i32
        %cond3A_234 = arith.constant 0 : i32
        %cond3A_235 = arith.cmpi ne, %convert_element_type3A_233, %cond3A_234 : i32
        scf.if %cond3A_235 {
          %dma_wait3A_236 = arith.constant 0 : i32
          %dma_wait3A_237 = arith.constant 0 : i32
          %dma_wait3A_238 = arith.constant 0 : i32
          %dma_wait3A_239 = tpu.memref_slice %arg2[%dma_wait3A_236, %dma_wait3A_237, %dma_wait3A_238] : memref<8192x32x128xf32, #tpu.memory_space<hbm>> -> memref<4x32x128xf32, #tpu.memory_space<hbm>>
          %dma_wait3A_240 = arith.constant 0 : i32
          %dma_wait3A_241 = arith.constant 0 : i32
          %dma_wait3A_242 = arith.constant 0 : i32
          %dma_wait3A_243 = tpu.memref_slice %arg2[%dma_wait3A_240, %dma_wait3A_241, %dma_wait3A_242] : memref<8192x32x128xf32, #tpu.memory_space<hbm>> -> memref<4x32x128xf32, #tpu.memory_space<hbm>>
          tpu.wait_dma2 semaphore(%arg26 : memref<!tpu.dma_semaphore, #tpu.memory_space<semaphore_mem>>) src(%dma_wait3A_243 : memref<4x32x128xf32, #tpu.memory_space<hbm>>) dst(%arg11 : memref<4x32x128xf32, #tpu.memory_space<vmem>>)
          %mul3A_244 = arith.constant 4 : i32
          %mul3A_245 = arith.muli %add3A_230, %mul3A_244 : i32
          %add3A_246 = arith.addi %mul3A_2, %mul3A_245 : i32
          %ge3A_247 = arith.cmpi sge, %add3A_246, %squeeze3A : i32
          %add3A_248 = arith.constant 4096 : i32
          %add3A_249 = arith.addi %squeeze3A, %add3A_248 : i32
          %lt3A_250 = arith.cmpi slt, %add3A_246, %add3A_249 : i32
          %and3A_251 = arith.andi %ge3A_247, %lt3A_250 : i1
          %sub3A_252 = arith.subi %add3A_246, %squeeze3A : i32
          %select_n3A_253 = arith.select %and3A_251, %sub3A_252, %add3A_246 : i32
          %multiple_of3A_254 = tpu.assume_multiple %select_n3A_253, 4 : i32
          %convert_element_type3A_255 = arith.extui %and3A_251 : i1 to i32
          %cond3A_256 = arith.constant 0 : i32
          %cond3A_257 = arith.cmpi ne, %convert_element_type3A_255, %cond3A_256 : i32
          scf.if %cond3A_257 {
            %dma_start3A_258 = arith.constant 0 : i32
            %dma_start3A_259 = arith.constant 0 : i32
            %dma_start3A_260 = tpu.memref_slice %arg3[%multiple_of3A_254, %dma_start3A_258, %dma_start3A_259] : memref<4096x32x128xf32, #tpu.memory_space<hbm>> -> memref<4x32x128xf32, #tpu.memory_space<hbm>>
            %dma_start3A_261 = arith.constant 0 : i32
            %dma_start3A_262 = arith.constant 0 : i32
            %dma_start3A_263 = tpu.memref_slice %arg3[%multiple_of3A_254, %dma_start3A_261, %dma_start3A_262] : memref<4096x32x128xf32, #tpu.memory_space<hbm>> -> memref<4x32x128xf32, #tpu.memory_space<hbm>>
            tpu.enqueue_dma source(%dma_start3A_263 : memref<4x32x128xf32, #tpu.memory_space<hbm>>) target(%arg11 : memref<4x32x128xf32, #tpu.memory_space<vmem>>) target_semaphore(%arg19 : memref<!tpu.dma_semaphore, #tpu.memory_space<semaphore_mem>>)
          } else {
            %dma_start3A_258 = arith.constant 0 : i32
            %dma_start3A_259 = arith.constant 0 : i32
            %dma_start3A_260 = tpu.memref_slice %arg2[%multiple_of3A_254, %dma_start3A_258, %dma_start3A_259] : memref<8192x32x128xf32, #tpu.memory_space<hbm>> -> memref<4x32x128xf32, #tpu.memory_space<hbm>>
            %dma_start3A_261 = arith.constant 0 : i32
            %dma_start3A_262 = arith.constant 0 : i32
            %dma_start3A_263 = tpu.memref_slice %arg2[%multiple_of3A_254, %dma_start3A_261, %dma_start3A_262] : memref<8192x32x128xf32, #tpu.memory_space<hbm>> -> memref<4x32x128xf32, #tpu.memory_space<hbm>>
            tpu.enqueue_dma source(%dma_start3A_263 : memref<4x32x128xf32, #tpu.memory_space<hbm>>) target(%arg11 : memref<4x32x128xf32, #tpu.memory_space<vmem>>) target_semaphore(%arg19 : memref<!tpu.dma_semaphore, #tpu.memory_space<semaphore_mem>>)
          }
        } else {
        }
      } else {
      }
      %mul3A_203 = arith.constant 7 : i32
      %mul3A_204 = arith.muli %scan3A_148, %mul3A_203 : i32
      %add3A_205 = arith.constant 6 : i32
      %add3A_206 = arith.addi %mul3A_204, %add3A_205 : i32
      %lt3A_207 = arith.constant 64 : i32
      %lt3A_208 = arith.cmpi slt, %add3A_206, %lt3A_207 : i32
      %convert_element_type3A_209 = arith.extui %lt3A_208 : i1 to i32
      %cond3A_210 = arith.constant 0 : i32
      %cond3A_211 = arith.cmpi ne, %convert_element_type3A_209, %cond3A_210 : i32
      scf.if %cond3A_211 {
        %dma_wait3A_212 = arith.constant 0 : i32
        %dma_wait3A_213 = arith.constant 0 : i32
        %dma_wait3A_214 = arith.constant 0 : i32
        %dma_wait3A_215 = tpu.memref_slice %arg2[%dma_wait3A_212, %dma_wait3A_213, %dma_wait3A_214] : memref<8192x32x128xf32, #tpu.memory_space<hbm>> -> memref<4x32x128xf32, #tpu.memory_space<hbm>>
        %dma_wait3A_216 = arith.constant 0 : i32
        %dma_wait3A_217 = arith.constant 0 : i32
        %dma_wait3A_218 = arith.constant 0 : i32
        %dma_wait3A_219 = tpu.memref_slice %arg2[%dma_wait3A_216, %dma_wait3A_217, %dma_wait3A_218] : memref<8192x32x128xf32, #tpu.memory_space<hbm>> -> memref<4x32x128xf32, #tpu.memory_space<hbm>>
        tpu.wait_dma2 semaphore(%arg20 : memref<!tpu.dma_semaphore, #tpu.memory_space<semaphore_mem>>) src(%dma_wait3A_219 : memref<4x32x128xf32, #tpu.memory_space<hbm>>) dst(%arg12 : memref<4x32x128xf32, #tpu.memory_space<vmem>>)
        %mul3A_220 = arith.constant 4 : i32
        %mul3A_221 = arith.muli %add3A_206, %mul3A_220 : i32
        %add3A_222 = arith.addi %mul3A_2, %mul3A_221 : i32
        %multiple_of3A_223 = tpu.assume_multiple %add3A_222, 4 : i32
        %dma_start3A = arith.constant 0 : i32
        %dma_start3A_224 = arith.constant 0 : i32
        %dma_start3A_225 = tpu.memref_slice %arg5[%multiple_of3A_223, %dma_start3A, %dma_start3A_224] : memref<8192x32x128xf32, #tpu.memory_space<hbm>> -> memref<4x32x128xf32, #tpu.memory_space<hbm>>
        %dma_start3A_226 = arith.constant 0 : i32
        %dma_start3A_227 = arith.constant 0 : i32
        %dma_start3A_228 = tpu.memref_slice %arg5[%multiple_of3A_223, %dma_start3A_226, %dma_start3A_227] : memref<8192x32x128xf32, #tpu.memory_space<hbm>> -> memref<4x32x128xf32, #tpu.memory_space<hbm>>
        tpu.enqueue_dma source(%arg12 : memref<4x32x128xf32, #tpu.memory_space<vmem>>) target(%dma_start3A_228 : memref<4x32x128xf32, #tpu.memory_space<hbm>>) target_semaphore(%arg27 : memref<!tpu.dma_semaphore, #tpu.memory_space<semaphore_mem>>)
        %add3A_229 = arith.constant 7 : i32
        %add3A_230 = arith.addi %add3A_206, %add3A_229 : i32
        %lt3A_231 = arith.constant 64 : i32
        %lt3A_232 = arith.cmpi slt, %add3A_230, %lt3A_231 : i32
        %convert_element_type3A_233 = arith.extui %lt3A_232 : i1 to i32
        %cond3A_234 = arith.constant 0 : i32
        %cond3A_235 = arith.cmpi ne, %convert_element_type3A_233, %cond3A_234 : i32
        scf.if %cond3A_235 {
          %dma_wait3A_236 = arith.constant 0 : i32
          %dma_wait3A_237 = arith.constant 0 : i32
          %dma_wait3A_238 = arith.constant 0 : i32
          %dma_wait3A_239 = tpu.memref_slice %arg2[%dma_wait3A_236, %dma_wait3A_237, %dma_wait3A_238] : memref<8192x32x128xf32, #tpu.memory_space<hbm>> -> memref<4x32x128xf32, #tpu.memory_space<hbm>>
          %dma_wait3A_240 = arith.constant 0 : i32
          %dma_wait3A_241 = arith.constant 0 : i32
          %dma_wait3A_242 = arith.constant 0 : i32
          %dma_wait3A_243 = tpu.memref_slice %arg2[%dma_wait3A_240, %dma_wait3A_241, %dma_wait3A_242] : memref<8192x32x128xf32, #tpu.memory_space<hbm>> -> memref<4x32x128xf32, #tpu.memory_space<hbm>>
          tpu.wait_dma2 semaphore(%arg27 : memref<!tpu.dma_semaphore, #tpu.memory_space<semaphore_mem>>) src(%dma_wait3A_243 : memref<4x32x128xf32, #tpu.memory_space<hbm>>) dst(%arg12 : memref<4x32x128xf32, #tpu.memory_space<vmem>>)
          %mul3A_244 = arith.constant 4 : i32
          %mul3A_245 = arith.muli %add3A_230, %mul3A_244 : i32
          %add3A_246 = arith.addi %mul3A_2, %mul3A_245 : i32
          %ge3A_247 = arith.cmpi sge, %add3A_246, %squeeze3A : i32
          %add3A_248 = arith.constant 4096 : i32
          %add3A_249 = arith.addi %squeeze3A, %add3A_248 : i32
          %lt3A_250 = arith.cmpi slt, %add3A_246, %add3A_249 : i32
          %and3A_251 = arith.andi %ge3A_247, %lt3A_250 : i1
          %sub3A_252 = arith.subi %add3A_246, %squeeze3A : i32
          %select_n3A_253 = arith.select %and3A_251, %sub3A_252, %add3A_246 : i32
          %multiple_of3A_254 = tpu.assume_multiple %select_n3A_253, 4 : i32
          %convert_element_type3A_255 = arith.extui %and3A_251 : i1 to i32
          %cond3A_256 = arith.constant 0 : i32
          %cond3A_257 = arith.cmpi ne, %convert_element_type3A_255, %cond3A_256 : i32
          scf.if %cond3A_257 {
            %dma_start3A_258 = arith.constant 0 : i32
            %dma_start3A_259 = arith.constant 0 : i32
            %dma_start3A_260 = tpu.memref_slice %arg3[%multiple_of3A_254, %dma_start3A_258, %dma_start3A_259] : memref<4096x32x128xf32, #tpu.memory_space<hbm>> -> memref<4x32x128xf32, #tpu.memory_space<hbm>>
            %dma_start3A_261 = arith.constant 0 : i32
            %dma_start3A_262 = arith.constant 0 : i32
            %dma_start3A_263 = tpu.memref_slice %arg3[%multiple_of3A_254, %dma_start3A_261, %dma_start3A_262] : memref<4096x32x128xf32, #tpu.memory_space<hbm>> -> memref<4x32x128xf32, #tpu.memory_space<hbm>>
            tpu.enqueue_dma source(%dma_start3A_263 : memref<4x32x128xf32, #tpu.memory_space<hbm>>) target(%arg12 : memref<4x32x128xf32, #tpu.memory_space<vmem>>) target_semaphore(%arg20 : memref<!tpu.dma_semaphore, #tpu.memory_space<semaphore_mem>>)
          } else {
            %dma_start3A_258 = arith.constant 0 : i32
            %dma_start3A_259 = arith.constant 0 : i32
            %dma_start3A_260 = tpu.memref_slice %arg2[%multiple_of3A_254, %dma_start3A_258, %dma_start3A_259] : memref<8192x32x128xf32, #tpu.memory_space<hbm>> -> memref<4x32x128xf32, #tpu.memory_space<hbm>>
            %dma_start3A_261 = arith.constant 0 : i32
            %dma_start3A_262 = arith.constant 0 : i32
            %dma_start3A_263 = tpu.memref_slice %arg2[%multiple_of3A_254, %dma_start3A_261, %dma_start3A_262] : memref<8192x32x128xf32, #tpu.memory_space<hbm>> -> memref<4x32x128xf32, #tpu.memory_space<hbm>>
            tpu.enqueue_dma source(%dma_start3A_263 : memref<4x32x128xf32, #tpu.memory_space<hbm>>) target(%arg12 : memref<4x32x128xf32, #tpu.memory_space<vmem>>) target_semaphore(%arg20 : memref<!tpu.dma_semaphore, #tpu.memory_space<semaphore_mem>>)
          }
        } else {
        }
      } else {
      }
    }
    %scan3A_92 = arith.constant 10 : i32
    %dma_wait3A = arith.constant 0 : i32
    %dma_wait3A_93 = arith.constant 0 : i32
    %dma_wait3A_94 = arith.constant 0 : i32
    %dma_wait3A_95 = tpu.memref_slice %arg2[%dma_wait3A, %dma_wait3A_93, %dma_wait3A_94] : memref<8192x32x128xf32, #tpu.memory_space<hbm>> -> memref<4x32x128xf32, #tpu.memory_space<hbm>>
    %dma_wait3A_96 = arith.constant 0 : i32
    %dma_wait3A_97 = arith.constant 0 : i32
    %dma_wait3A_98 = arith.constant 0 : i32
    %dma_wait3A_99 = tpu.memref_slice %arg2[%dma_wait3A_96, %dma_wait3A_97, %dma_wait3A_98] : memref<8192x32x128xf32, #tpu.memory_space<hbm>> -> memref<4x32x128xf32, #tpu.memory_space<hbm>>
    tpu.wait_dma2 semaphore(%arg21 : memref<!tpu.dma_semaphore, #tpu.memory_space<semaphore_mem>>) src(%dma_wait3A_99 : memref<4x32x128xf32, #tpu.memory_space<hbm>>) dst(%arg6 : memref<4x32x128xf32, #tpu.memory_space<vmem>>)
    %dma_wait3A_100 = arith.constant 0 : i32
    %dma_wait3A_101 = arith.constant 0 : i32
    %dma_wait3A_102 = arith.constant 0 : i32
    %dma_wait3A_103 = tpu.memref_slice %arg2[%dma_wait3A_100, %dma_wait3A_101, %dma_wait3A_102] : memref<8192x32x128xf32, #tpu.memory_space<hbm>> -> memref<4x32x128xf32, #tpu.memory_space<hbm>>
    %dma_wait3A_104 = arith.constant 0 : i32
    %dma_wait3A_105 = arith.constant 0 : i32
    %dma_wait3A_106 = arith.constant 0 : i32
    %dma_wait3A_107 = tpu.memref_slice %arg2[%dma_wait3A_104, %dma_wait3A_105, %dma_wait3A_106] : memref<8192x32x128xf32, #tpu.memory_space<hbm>> -> memref<4x32x128xf32, #tpu.memory_space<hbm>>
    tpu.wait_dma2 semaphore(%arg22 : memref<!tpu.dma_semaphore, #tpu.memory_space<semaphore_mem>>) src(%dma_wait3A_107 : memref<4x32x128xf32, #tpu.memory_space<hbm>>) dst(%arg7 : memref<4x32x128xf32, #tpu.memory_space<vmem>>)
    %dma_wait3A_108 = arith.constant 0 : i32
    %dma_wait3A_109 = arith.constant 0 : i32
    %dma_wait3A_110 = arith.constant 0 : i32
    %dma_wait3A_111 = tpu.memref_slice %arg2[%dma_wait3A_108, %dma_wait3A_109, %dma_wait3A_110] : memref<8192x32x128xf32, #tpu.memory_space<hbm>> -> memref<4x32x128xf32, #tpu.memory_space<hbm>>
    %dma_wait3A_112 = arith.constant 0 : i32
    %dma_wait3A_113 = arith.constant 0 : i32
    %dma_wait3A_114 = arith.constant 0 : i32
    %dma_wait3A_115 = tpu.memref_slice %arg2[%dma_wait3A_112, %dma_wait3A_113, %dma_wait3A_114] : memref<8192x32x128xf32, #tpu.memory_space<hbm>> -> memref<4x32x128xf32, #tpu.memory_space<hbm>>
    tpu.wait_dma2 semaphore(%arg23 : memref<!tpu.dma_semaphore, #tpu.memory_space<semaphore_mem>>) src(%dma_wait3A_115 : memref<4x32x128xf32, #tpu.memory_space<hbm>>) dst(%arg8 : memref<4x32x128xf32, #tpu.memory_space<vmem>>)
    %dma_wait3A_116 = arith.constant 0 : i32
    %dma_wait3A_117 = arith.constant 0 : i32
    %dma_wait3A_118 = arith.constant 0 : i32
    %dma_wait3A_119 = tpu.memref_slice %arg2[%dma_wait3A_116, %dma_wait3A_117, %dma_wait3A_118] : memref<8192x32x128xf32, #tpu.memory_space<hbm>> -> memref<4x32x128xf32, #tpu.memory_space<hbm>>
    %dma_wait3A_120 = arith.constant 0 : i32
    %dma_wait3A_121 = arith.constant 0 : i32
    %dma_wait3A_122 = arith.constant 0 : i32
    %dma_wait3A_123 = tpu.memref_slice %arg2[%dma_wait3A_120, %dma_wait3A_121, %dma_wait3A_122] : memref<8192x32x128xf32, #tpu.memory_space<hbm>> -> memref<4x32x128xf32, #tpu.memory_space<hbm>>
    tpu.wait_dma2 semaphore(%arg24 : memref<!tpu.dma_semaphore, #tpu.memory_space<semaphore_mem>>) src(%dma_wait3A_123 : memref<4x32x128xf32, #tpu.memory_space<hbm>>) dst(%arg9 : memref<4x32x128xf32, #tpu.memory_space<vmem>>)
    %dma_wait3A_124 = arith.constant 0 : i32
    %dma_wait3A_125 = arith.constant 0 : i32
    %dma_wait3A_126 = arith.constant 0 : i32
    %dma_wait3A_127 = tpu.memref_slice %arg2[%dma_wait3A_124, %dma_wait3A_125, %dma_wait3A_126] : memref<8192x32x128xf32, #tpu.memory_space<hbm>> -> memref<4x32x128xf32, #tpu.memory_space<hbm>>
    %dma_wait3A_128 = arith.constant 0 : i32
    %dma_wait3A_129 = arith.constant 0 : i32
    %dma_wait3A_130 = arith.constant 0 : i32
    %dma_wait3A_131 = tpu.memref_slice %arg2[%dma_wait3A_128, %dma_wait3A_129, %dma_wait3A_130] : memref<8192x32x128xf32, #tpu.memory_space<hbm>> -> memref<4x32x128xf32, #tpu.memory_space<hbm>>
    tpu.wait_dma2 semaphore(%arg25 : memref<!tpu.dma_semaphore, #tpu.memory_space<semaphore_mem>>) src(%dma_wait3A_131 : memref<4x32x128xf32, #tpu.memory_space<hbm>>) dst(%arg10 : memref<4x32x128xf32, #tpu.memory_space<vmem>>)
    %dma_wait3A_132 = arith.constant 0 : i32
    %dma_wait3A_133 = arith.constant 0 : i32
    %dma_wait3A_134 = arith.constant 0 : i32
    %dma_wait3A_135 = tpu.memref_slice %arg2[%dma_wait3A_132, %dma_wait3A_133, %dma_wait3A_134] : memref<8192x32x128xf32, #tpu.memory_space<hbm>> -> memref<4x32x128xf32, #tpu.memory_space<hbm>>
    %dma_wait3A_136 = arith.constant 0 : i32
    %dma_wait3A_137 = arith.constant 0 : i32
    %dma_wait3A_138 = arith.constant 0 : i32
    %dma_wait3A_139 = tpu.memref_slice %arg2[%dma_wait3A_136, %dma_wait3A_137, %dma_wait3A_138] : memref<8192x32x128xf32, #tpu.memory_space<hbm>> -> memref<4x32x128xf32, #tpu.memory_space<hbm>>
    tpu.wait_dma2 semaphore(%arg26 : memref<!tpu.dma_semaphore, #tpu.memory_space<semaphore_mem>>) src(%dma_wait3A_139 : memref<4x32x128xf32, #tpu.memory_space<hbm>>) dst(%arg11 : memref<4x32x128xf32, #tpu.memory_space<vmem>>)
    %dma_wait3A_140 = arith.constant 0 : i32
    %dma_wait3A_141 = arith.constant 0 : i32
    %dma_wait3A_142 = arith.constant 0 : i32
    %dma_wait3A_143 = tpu.memref_slice %arg2[%dma_wait3A_140, %dma_wait3A_141, %dma_wait3A_142] : memref<8192x32x128xf32, #tpu.memory_space<hbm>> -> memref<4x32x128xf32, #tpu.memory_space<hbm>>
    %dma_wait3A_144 = arith.constant 0 : i32
    %dma_wait3A_145 = arith.constant 0 : i32
    %dma_wait3A_146 = arith.constant 0 : i32
    %dma_wait3A_147 = tpu.memref_slice %arg2[%dma_wait3A_144, %dma_wait3A_145, %dma_wait3A_146] : memref<8192x32x128xf32, #tpu.memory_space<hbm>> -> memref<4x32x128xf32, #tpu.memory_space<hbm>>
    tpu.wait_dma2 semaphore(%arg27 : memref<!tpu.dma_semaphore, #tpu.memory_space<semaphore_mem>>) src(%dma_wait3A_147 : memref<4x32x128xf32, #tpu.memory_space<hbm>>) dst(%arg12 : memref<4x32x128xf32, #tpu.memory_space<vmem>>)
    return
  }
}

module attributes {stable_mosaic.version = 14 : i64} {
  func.func @_dma_body(%arg0: memref<1xi32, #tpu.memory_space<smem>>, %arg1: memref<33554432xf32, #tpu.memory_space<hbm>>, %arg2: memref<16777216xf32, #tpu.memory_space<hbm>>, %arg3: memref<33554432xf32, #tpu.memory_space<hbm>>, %arg4: memref<16777216xf32, #tpu.memory_space<hbm>>, %arg5: memref<33554432xf32, #tpu.memory_space<hbm>>, %arg6: memref<33554432xf32, #tpu.memory_space<hbm>>, %arg7: memref<!tpu.dma_semaphore, #tpu.memory_space<semaphore_mem>>) attributes {dimension_semantics = [], scalar_prefetch = 0 : i64, scratch_operands = 1 : i64, tpu.core_type = #tpu.core_type<tc>} {
    %get3A = arith.constant 0 : index
    %get3A_0 = memref.load %arg0[%get3A] : memref<1xi32, #tpu.memory_space<smem>>
    %jit3A = arith.constant 256 : i32
    %div3A = arith.divsi %get3A_0, %jit3A : i32
    %sign3A = arith.constant 0 : i32
    %sign3A_1 = arith.cmpi sgt, %get3A_0, %sign3A : i32
    %sign3A_2 = arith.extui %sign3A_1 : i1 to i32
    %sign3A_3 = arith.constant 0 : i32
    %sign3A_4 = arith.cmpi slt, %get3A_0, %sign3A_3 : i32
    %sign3A_5 = arith.extui %sign3A_4 : i1 to i32
    %sign3A_6 = arith.subi %sign3A_2, %sign3A_5 : i32
    %sign3A_7 = arith.constant 0 : i32
    %sign3A_8 = arith.cmpi sgt, %jit3A, %sign3A_7 : i32
    %sign3A_9 = arith.extui %sign3A_8 : i1 to i32
    %sign3A_10 = arith.constant 0 : i32
    %sign3A_11 = arith.cmpi slt, %jit3A, %sign3A_10 : i32
    %sign3A_12 = arith.extui %sign3A_11 : i1 to i32
    %sign3A_13 = arith.subi %sign3A_9, %sign3A_12 : i32
    %ne3A = arith.cmpi ne, %sign3A_6, %sign3A_13 : i32
    %rem3A = arith.remsi %get3A_0, %jit3A : i32
    %ne3A_14 = arith.constant 0 : i32
    %ne3A_15 = arith.cmpi ne, %rem3A, %ne3A_14 : i32
    %and3A = arith.andi %ne3A, %ne3A_15 : i1
    %sub3A = arith.constant 1 : i32
    %sub3A_16 = arith.subi %div3A, %sub3A : i32
    %select_n3A = arith.select %and3A, %sub3A_16, %div3A : i32
    %while3A = arith.constant 0 : i32
    %while3A_17 = arith.constant 0 : i32
    %while3A_18 = arith.subi %select_n3A, %while3A : i32
    %while3A_19 = arith.addi %while3A, %while3A_18 : i32
    %while3A_20 = arith.constant 1 : i32
    %while3A_21 = arith.divsi %while3A_18, %while3A_20 : i32
    %while3A_22 = arith.muli %while3A_21, %while3A_20 : i32
    %while3A_23 = arith.addi %while3A, %while3A_22 : i32
    %while3A_24 = arith.constant 1 : i32
    %while3A_25 = scf.for %while3A_152 = %while3A to %while3A_23 step %while3A_24 iter_args(%while3A_153 = %while3A_17) -> (i32)  : i32 {
      %mul3A = arith.constant 1048576 : i32
      %mul3A_154 = arith.muli %while3A_152, %mul3A : i32
      %multiple_of3A = tpu.assume_multiple %mul3A_154, 4096 : i32
      %multiple_of3A_155 = tpu.assume_multiple %mul3A_154, 4096 : i32
      %dma_start3A = tpu.memref_slice %arg5[%multiple_of3A_155] : memref<33554432xf32, #tpu.memory_space<hbm>> -> memref<1048576xf32, #tpu.memory_space<hbm>>
      %dma_start3A_156 = tpu.memref_slice %arg1[%multiple_of3A] : memref<33554432xf32, #tpu.memory_space<hbm>> -> memref<1048576xf32, #tpu.memory_space<hbm>>
      tpu.enqueue_dma source(%dma_start3A_156 : memref<1048576xf32, #tpu.memory_space<hbm>>) target(%dma_start3A : memref<1048576xf32, #tpu.memory_space<hbm>>) target_semaphore(%arg7 : memref<!tpu.dma_semaphore, #tpu.memory_space<semaphore_mem>>)
      %multiple_of3A_157 = tpu.assume_multiple %mul3A_154, 4096 : i32
      %multiple_of3A_158 = tpu.assume_multiple %mul3A_154, 4096 : i32
      %dma_start3A_159 = tpu.memref_slice %arg6[%multiple_of3A_158] : memref<33554432xf32, #tpu.memory_space<hbm>> -> memref<1048576xf32, #tpu.memory_space<hbm>>
      %dma_start3A_160 = tpu.memref_slice %arg3[%multiple_of3A_157] : memref<33554432xf32, #tpu.memory_space<hbm>> -> memref<1048576xf32, #tpu.memory_space<hbm>>
      tpu.enqueue_dma source(%dma_start3A_160 : memref<1048576xf32, #tpu.memory_space<hbm>>) target(%dma_start3A_159 : memref<1048576xf32, #tpu.memory_space<hbm>>) target_semaphore(%arg7 : memref<!tpu.dma_semaphore, #tpu.memory_space<semaphore_mem>>)
      %add3A_161 = arith.constant 2 : i32
      %add3A_162 = arith.addi %while3A_153, %add3A_161 : i32
      scf.yield %add3A_162 : i32
    }
    %while3A_26 = arith.constant 1 : i32
    %while3A_27 = scf.for %while3A_152 = %while3A_23 to %while3A_19 step %while3A_26 iter_args(%while3A_153 = %while3A_25) -> (i32)  : i32 {
      %mul3A = arith.constant 1048576 : i32
      %mul3A_154 = arith.muli %while3A_152, %mul3A : i32
      %multiple_of3A = tpu.assume_multiple %mul3A_154, 4096 : i32
      %multiple_of3A_155 = tpu.assume_multiple %mul3A_154, 4096 : i32
      %dma_start3A = tpu.memref_slice %arg5[%multiple_of3A_155] : memref<33554432xf32, #tpu.memory_space<hbm>> -> memref<1048576xf32, #tpu.memory_space<hbm>>
      %dma_start3A_156 = tpu.memref_slice %arg1[%multiple_of3A] : memref<33554432xf32, #tpu.memory_space<hbm>> -> memref<1048576xf32, #tpu.memory_space<hbm>>
      tpu.enqueue_dma source(%dma_start3A_156 : memref<1048576xf32, #tpu.memory_space<hbm>>) target(%dma_start3A : memref<1048576xf32, #tpu.memory_space<hbm>>) target_semaphore(%arg7 : memref<!tpu.dma_semaphore, #tpu.memory_space<semaphore_mem>>)
      %multiple_of3A_157 = tpu.assume_multiple %mul3A_154, 4096 : i32
      %multiple_of3A_158 = tpu.assume_multiple %mul3A_154, 4096 : i32
      %dma_start3A_159 = tpu.memref_slice %arg6[%multiple_of3A_158] : memref<33554432xf32, #tpu.memory_space<hbm>> -> memref<1048576xf32, #tpu.memory_space<hbm>>
      %dma_start3A_160 = tpu.memref_slice %arg3[%multiple_of3A_157] : memref<33554432xf32, #tpu.memory_space<hbm>> -> memref<1048576xf32, #tpu.memory_space<hbm>>
      tpu.enqueue_dma source(%dma_start3A_160 : memref<1048576xf32, #tpu.memory_space<hbm>>) target(%dma_start3A_159 : memref<1048576xf32, #tpu.memory_space<hbm>>) target_semaphore(%arg7 : memref<!tpu.dma_semaphore, #tpu.memory_space<semaphore_mem>>)
      %add3A_161 = arith.constant 2 : i32
      %add3A_162 = arith.addi %while3A_153, %add3A_161 : i32
      scf.yield %add3A_162 : i32
    }
    %scan3A = arith.constant 0 : i32
    %scan3A_28 = arith.constant 16 : i32
    %scan3A_29 = arith.addi %scan3A, %scan3A_28 : i32
    %scan3A_30 = arith.constant 1 : i32
    %scan3A_31 = scf.for %scan3A_152 = %scan3A to %scan3A_29 step %scan3A_30 iter_args(%scan3A_153 = %while3A_27) -> (i32)  : i32 {
      %mul3A = arith.constant 1048576 : i32
      %mul3A_154 = arith.muli %scan3A_152, %mul3A : i32
      %mul3A_155 = arith.constant 256 : i32
      %mul3A_156 = arith.muli %scan3A_152, %mul3A_155 : i32
      %add3A_157 = arith.addi %get3A_0, %mul3A_156 : i32
      %mul3A_158 = arith.constant 4096 : i32
      %mul3A_159 = arith.muli %add3A_157, %mul3A_158 : i32
      %multiple_of3A = tpu.assume_multiple %mul3A_154, 4096 : i32
      %multiple_of3A_160 = tpu.assume_multiple %mul3A_159, 4096 : i32
      %dma_start3A = tpu.memref_slice %arg5[%multiple_of3A_160] : memref<33554432xf32, #tpu.memory_space<hbm>> -> memref<1048576xf32, #tpu.memory_space<hbm>>
      %dma_start3A_161 = tpu.memref_slice %arg2[%multiple_of3A] : memref<16777216xf32, #tpu.memory_space<hbm>> -> memref<1048576xf32, #tpu.memory_space<hbm>>
      tpu.enqueue_dma source(%dma_start3A_161 : memref<1048576xf32, #tpu.memory_space<hbm>>) target(%dma_start3A : memref<1048576xf32, #tpu.memory_space<hbm>>) target_semaphore(%arg7 : memref<!tpu.dma_semaphore, #tpu.memory_space<semaphore_mem>>)
      %multiple_of3A_162 = tpu.assume_multiple %mul3A_154, 4096 : i32
      %multiple_of3A_163 = tpu.assume_multiple %mul3A_159, 4096 : i32
      %dma_start3A_164 = tpu.memref_slice %arg6[%multiple_of3A_163] : memref<33554432xf32, #tpu.memory_space<hbm>> -> memref<1048576xf32, #tpu.memory_space<hbm>>
      %dma_start3A_165 = tpu.memref_slice %arg4[%multiple_of3A_162] : memref<16777216xf32, #tpu.memory_space<hbm>> -> memref<1048576xf32, #tpu.memory_space<hbm>>
      tpu.enqueue_dma source(%dma_start3A_165 : memref<1048576xf32, #tpu.memory_space<hbm>>) target(%dma_start3A_164 : memref<1048576xf32, #tpu.memory_space<hbm>>) target_semaphore(%arg7 : memref<!tpu.dma_semaphore, #tpu.memory_space<semaphore_mem>>)
      %add3A_166 = arith.constant 2 : i32
      %add3A_167 = arith.addi %scan3A_153, %add3A_166 : i32
      scf.yield %add3A_167 : i32
    }
    %scan3A_32 = arith.constant 16 : i32
    %sub3A_33 = arith.constant 8192 : i32
    %sub3A_34 = arith.subi %sub3A_33, %get3A_0 : i32
    %sub3A_35 = arith.constant 4096 : i32
    %sub3A_36 = arith.subi %sub3A_34, %sub3A_35 : i32
    %jit3A_37 = arith.constant 256 : i32
    %div3A_38 = arith.divsi %sub3A_36, %jit3A_37 : i32
    %sign3A_39 = arith.constant 0 : i32
    %sign3A_40 = arith.cmpi sgt, %sub3A_36, %sign3A_39 : i32
    %sign3A_41 = arith.extui %sign3A_40 : i1 to i32
    %sign3A_42 = arith.constant 0 : i32
    %sign3A_43 = arith.cmpi slt, %sub3A_36, %sign3A_42 : i32
    %sign3A_44 = arith.extui %sign3A_43 : i1 to i32
    %sign3A_45 = arith.subi %sign3A_41, %sign3A_44 : i32
    %sign3A_46 = arith.constant 0 : i32
    %sign3A_47 = arith.cmpi sgt, %jit3A_37, %sign3A_46 : i32
    %sign3A_48 = arith.extui %sign3A_47 : i1 to i32
    %sign3A_49 = arith.constant 0 : i32
    %sign3A_50 = arith.cmpi slt, %jit3A_37, %sign3A_49 : i32
    %sign3A_51 = arith.extui %sign3A_50 : i1 to i32
    %sign3A_52 = arith.subi %sign3A_48, %sign3A_51 : i32
    %ne3A_53 = arith.cmpi ne, %sign3A_45, %sign3A_52 : i32
    %rem3A_54 = arith.remsi %sub3A_36, %jit3A_37 : i32
    %ne3A_55 = arith.constant 0 : i32
    %ne3A_56 = arith.cmpi ne, %rem3A_54, %ne3A_55 : i32
    %and3A_57 = arith.andi %ne3A_53, %ne3A_56 : i1
    %sub3A_58 = arith.constant 1 : i32
    %sub3A_59 = arith.subi %div3A_38, %sub3A_58 : i32
    %select_n3A_60 = arith.select %and3A_57, %sub3A_59, %div3A_38 : i32
    %while3A_61 = arith.constant 0 : i32
    %while3A_62 = arith.subi %select_n3A_60, %while3A_61 : i32
    %while3A_63 = arith.addi %while3A_61, %while3A_62 : i32
    %while3A_64 = arith.constant 1 : i32
    %while3A_65 = arith.divsi %while3A_62, %while3A_64 : i32
    %while3A_66 = arith.muli %while3A_65, %while3A_64 : i32
    %while3A_67 = arith.addi %while3A_61, %while3A_66 : i32
    %while3A_68 = arith.constant 1 : i32
    %while3A_69 = scf.for %while3A_152 = %while3A_61 to %while3A_67 step %while3A_68 iter_args(%while3A_153 = %scan3A_31) -> (i32)  : i32 {
      %add3A_154 = arith.constant 4096 : i32
      %add3A_155 = arith.addi %get3A_0, %add3A_154 : i32
      %mul3A = arith.constant 256 : i32
      %mul3A_156 = arith.muli %while3A_152, %mul3A : i32
      %add3A_157 = arith.addi %add3A_155, %mul3A_156 : i32
      %mul3A_158 = arith.constant 4096 : i32
      %mul3A_159 = arith.muli %add3A_157, %mul3A_158 : i32
      %multiple_of3A = tpu.assume_multiple %mul3A_159, 4096 : i32
      %multiple_of3A_160 = tpu.assume_multiple %mul3A_159, 4096 : i32
      %dma_start3A = tpu.memref_slice %arg5[%multiple_of3A_160] : memref<33554432xf32, #tpu.memory_space<hbm>> -> memref<1048576xf32, #tpu.memory_space<hbm>>
      %dma_start3A_161 = tpu.memref_slice %arg1[%multiple_of3A] : memref<33554432xf32, #tpu.memory_space<hbm>> -> memref<1048576xf32, #tpu.memory_space<hbm>>
      tpu.enqueue_dma source(%dma_start3A_161 : memref<1048576xf32, #tpu.memory_space<hbm>>) target(%dma_start3A : memref<1048576xf32, #tpu.memory_space<hbm>>) target_semaphore(%arg7 : memref<!tpu.dma_semaphore, #tpu.memory_space<semaphore_mem>>)
      %multiple_of3A_162 = tpu.assume_multiple %mul3A_159, 4096 : i32
      %multiple_of3A_163 = tpu.assume_multiple %mul3A_159, 4096 : i32
      %dma_start3A_164 = tpu.memref_slice %arg6[%multiple_of3A_163] : memref<33554432xf32, #tpu.memory_space<hbm>> -> memref<1048576xf32, #tpu.memory_space<hbm>>
      %dma_start3A_165 = tpu.memref_slice %arg3[%multiple_of3A_162] : memref<33554432xf32, #tpu.memory_space<hbm>> -> memref<1048576xf32, #tpu.memory_space<hbm>>
      tpu.enqueue_dma source(%dma_start3A_165 : memref<1048576xf32, #tpu.memory_space<hbm>>) target(%dma_start3A_164 : memref<1048576xf32, #tpu.memory_space<hbm>>) target_semaphore(%arg7 : memref<!tpu.dma_semaphore, #tpu.memory_space<semaphore_mem>>)
      %add3A_166 = arith.constant 2 : i32
      %add3A_167 = arith.addi %while3A_153, %add3A_166 : i32
      scf.yield %add3A_167 : i32
    }
    %while3A_70 = arith.constant 1 : i32
    %while3A_71 = scf.for %while3A_152 = %while3A_67 to %while3A_63 step %while3A_70 iter_args(%while3A_153 = %while3A_69) -> (i32)  : i32 {
      %add3A_154 = arith.constant 4096 : i32
      %add3A_155 = arith.addi %get3A_0, %add3A_154 : i32
      %mul3A = arith.constant 256 : i32
      %mul3A_156 = arith.muli %while3A_152, %mul3A : i32
      %add3A_157 = arith.addi %add3A_155, %mul3A_156 : i32
      %mul3A_158 = arith.constant 4096 : i32
      %mul3A_159 = arith.muli %add3A_157, %mul3A_158 : i32
      %multiple_of3A = tpu.assume_multiple %mul3A_159, 4096 : i32
      %multiple_of3A_160 = tpu.assume_multiple %mul3A_159, 4096 : i32
      %dma_start3A = tpu.memref_slice %arg5[%multiple_of3A_160] : memref<33554432xf32, #tpu.memory_space<hbm>> -> memref<1048576xf32, #tpu.memory_space<hbm>>
      %dma_start3A_161 = tpu.memref_slice %arg1[%multiple_of3A] : memref<33554432xf32, #tpu.memory_space<hbm>> -> memref<1048576xf32, #tpu.memory_space<hbm>>
      tpu.enqueue_dma source(%dma_start3A_161 : memref<1048576xf32, #tpu.memory_space<hbm>>) target(%dma_start3A : memref<1048576xf32, #tpu.memory_space<hbm>>) target_semaphore(%arg7 : memref<!tpu.dma_semaphore, #tpu.memory_space<semaphore_mem>>)
      %multiple_of3A_162 = tpu.assume_multiple %mul3A_159, 4096 : i32
      %multiple_of3A_163 = tpu.assume_multiple %mul3A_159, 4096 : i32
      %dma_start3A_164 = tpu.memref_slice %arg6[%multiple_of3A_163] : memref<33554432xf32, #tpu.memory_space<hbm>> -> memref<1048576xf32, #tpu.memory_space<hbm>>
      %dma_start3A_165 = tpu.memref_slice %arg3[%multiple_of3A_162] : memref<33554432xf32, #tpu.memory_space<hbm>> -> memref<1048576xf32, #tpu.memory_space<hbm>>
      tpu.enqueue_dma source(%dma_start3A_165 : memref<1048576xf32, #tpu.memory_space<hbm>>) target(%dma_start3A_164 : memref<1048576xf32, #tpu.memory_space<hbm>>) target_semaphore(%arg7 : memref<!tpu.dma_semaphore, #tpu.memory_space<semaphore_mem>>)
      %add3A_166 = arith.constant 2 : i32
      %add3A_167 = arith.addi %while3A_153, %add3A_166 : i32
      scf.yield %add3A_167 : i32
    }
    %jit3A_72 = arith.constant 256 : i32
    %eq3A = arith.constant 0 : i32
    %eq3A_73 = arith.cmpi eq, %jit3A_72, %eq3A : i32
    %jit3A_74 = arith.constant 1 : i32
    %select_n3A_75 = arith.select %eq3A_73, %jit3A_74, %jit3A_72 : i32
    %rem3A_76 = arith.remsi %get3A_0, %select_n3A_75 : i32
    %ne3A_77 = arith.constant 0 : i32
    %ne3A_78 = arith.cmpi ne, %rem3A_76, %ne3A_77 : i32
    %lt3A = arith.constant 0 : i32
    %lt3A_79 = arith.cmpi slt, %rem3A_76, %lt3A : i32
    %lt3A_80 = arith.constant 0 : i32
    %lt3A_81 = arith.cmpi slt, %select_n3A_75, %lt3A_80 : i32
    %ne3A_82 = arith.xori %lt3A_79, %lt3A_81 : i1
    %and3A_83 = arith.andi %ne3A_82, %ne3A_78 : i1
    %add3A = arith.addi %rem3A_76, %select_n3A_75 : i32
    %select_n3A_84 = arith.select %and3A_83, %add3A, %rem3A_76 : i32
    %while3A_85 = arith.constant 0 : i32
    %while3A_86 = arith.constant 0 : i32
    %while3A_87 = arith.subi %select_n3A_84, %while3A_85 : i32
    %while3A_88 = arith.addi %while3A_85, %while3A_87 : i32
    %while3A_89 = arith.constant 1 : i32
    %while3A_90 = arith.divsi %while3A_87, %while3A_89 : i32
    %while3A_91 = arith.muli %while3A_90, %while3A_89 : i32
    %while3A_92 = arith.addi %while3A_85, %while3A_91 : i32
    %while3A_93 = arith.constant 1 : i32
    %while3A_94 = scf.for %while3A_152 = %while3A_85 to %while3A_92 step %while3A_93 iter_args(%while3A_153 = %while3A_86) -> (i32)  : i32 {
      %jit3A_154 = arith.constant 256 : i32
      %div3A_155 = arith.divsi %get3A_0, %jit3A_154 : i32
      %sign3A_156 = arith.constant 0 : i32
      %sign3A_157 = arith.cmpi sgt, %get3A_0, %sign3A_156 : i32
      %sign3A_158 = arith.extui %sign3A_157 : i1 to i32
      %sign3A_159 = arith.constant 0 : i32
      %sign3A_160 = arith.cmpi slt, %get3A_0, %sign3A_159 : i32
      %sign3A_161 = arith.extui %sign3A_160 : i1 to i32
      %sign3A_162 = arith.subi %sign3A_158, %sign3A_161 : i32
      %sign3A_163 = arith.constant 0 : i32
      %sign3A_164 = arith.cmpi sgt, %jit3A_154, %sign3A_163 : i32
      %sign3A_165 = arith.extui %sign3A_164 : i1 to i32
      %sign3A_166 = arith.constant 0 : i32
      %sign3A_167 = arith.cmpi slt, %jit3A_154, %sign3A_166 : i32
      %sign3A_168 = arith.extui %sign3A_167 : i1 to i32
      %sign3A_169 = arith.subi %sign3A_165, %sign3A_168 : i32
      %ne3A_170 = arith.cmpi ne, %sign3A_162, %sign3A_169 : i32
      %rem3A_171 = arith.remsi %get3A_0, %jit3A_154 : i32
      %ne3A_172 = arith.constant 0 : i32
      %ne3A_173 = arith.cmpi ne, %rem3A_171, %ne3A_172 : i32
      %and3A_174 = arith.andi %ne3A_170, %ne3A_173 : i1
      %sub3A_175 = arith.constant 1 : i32
      %sub3A_176 = arith.subi %div3A_155, %sub3A_175 : i32
      %select_n3A_177 = arith.select %and3A_174, %sub3A_176, %div3A_155 : i32
      %mul3A = arith.constant 256 : i32
      %mul3A_178 = arith.muli %select_n3A_177, %mul3A : i32
      %add3A_179 = arith.addi %mul3A_178, %while3A_152 : i32
      %mul3A_180 = arith.constant 4096 : i32
      %mul3A_181 = arith.muli %add3A_179, %mul3A_180 : i32
      %multiple_of3A = tpu.assume_multiple %mul3A_181, 4096 : i32
      %multiple_of3A_182 = tpu.assume_multiple %mul3A_181, 4096 : i32
      %dma_start3A = tpu.memref_slice %arg5[%multiple_of3A_182] : memref<33554432xf32, #tpu.memory_space<hbm>> -> memref<4096xf32, #tpu.memory_space<hbm>>
      %dma_start3A_183 = tpu.memref_slice %arg1[%multiple_of3A] : memref<33554432xf32, #tpu.memory_space<hbm>> -> memref<4096xf32, #tpu.memory_space<hbm>>
      tpu.enqueue_dma source(%dma_start3A_183 : memref<4096xf32, #tpu.memory_space<hbm>>) target(%dma_start3A : memref<4096xf32, #tpu.memory_space<hbm>>) target_semaphore(%arg7 : memref<!tpu.dma_semaphore, #tpu.memory_space<semaphore_mem>>)
      %multiple_of3A_184 = tpu.assume_multiple %mul3A_181, 4096 : i32
      %multiple_of3A_185 = tpu.assume_multiple %mul3A_181, 4096 : i32
      %dma_start3A_186 = tpu.memref_slice %arg6[%multiple_of3A_185] : memref<33554432xf32, #tpu.memory_space<hbm>> -> memref<4096xf32, #tpu.memory_space<hbm>>
      %dma_start3A_187 = tpu.memref_slice %arg3[%multiple_of3A_184] : memref<33554432xf32, #tpu.memory_space<hbm>> -> memref<4096xf32, #tpu.memory_space<hbm>>
      tpu.enqueue_dma source(%dma_start3A_187 : memref<4096xf32, #tpu.memory_space<hbm>>) target(%dma_start3A_186 : memref<4096xf32, #tpu.memory_space<hbm>>) target_semaphore(%arg7 : memref<!tpu.dma_semaphore, #tpu.memory_space<semaphore_mem>>)
      %add3A_188 = arith.constant 2 : i32
      %add3A_189 = arith.addi %while3A_153, %add3A_188 : i32
      scf.yield %add3A_189 : i32
    }
    %while3A_95 = arith.constant 1 : i32
    %while3A_96 = scf.for %while3A_152 = %while3A_92 to %while3A_88 step %while3A_95 iter_args(%while3A_153 = %while3A_94) -> (i32)  : i32 {
      %jit3A_154 = arith.constant 256 : i32
      %div3A_155 = arith.divsi %get3A_0, %jit3A_154 : i32
      %sign3A_156 = arith.constant 0 : i32
      %sign3A_157 = arith.cmpi sgt, %get3A_0, %sign3A_156 : i32
      %sign3A_158 = arith.extui %sign3A_157 : i1 to i32
      %sign3A_159 = arith.constant 0 : i32
      %sign3A_160 = arith.cmpi slt, %get3A_0, %sign3A_159 : i32
      %sign3A_161 = arith.extui %sign3A_160 : i1 to i32
      %sign3A_162 = arith.subi %sign3A_158, %sign3A_161 : i32
      %sign3A_163 = arith.constant 0 : i32
      %sign3A_164 = arith.cmpi sgt, %jit3A_154, %sign3A_163 : i32
      %sign3A_165 = arith.extui %sign3A_164 : i1 to i32
      %sign3A_166 = arith.constant 0 : i32
      %sign3A_167 = arith.cmpi slt, %jit3A_154, %sign3A_166 : i32
      %sign3A_168 = arith.extui %sign3A_167 : i1 to i32
      %sign3A_169 = arith.subi %sign3A_165, %sign3A_168 : i32
      %ne3A_170 = arith.cmpi ne, %sign3A_162, %sign3A_169 : i32
      %rem3A_171 = arith.remsi %get3A_0, %jit3A_154 : i32
      %ne3A_172 = arith.constant 0 : i32
      %ne3A_173 = arith.cmpi ne, %rem3A_171, %ne3A_172 : i32
      %and3A_174 = arith.andi %ne3A_170, %ne3A_173 : i1
      %sub3A_175 = arith.constant 1 : i32
      %sub3A_176 = arith.subi %div3A_155, %sub3A_175 : i32
      %select_n3A_177 = arith.select %and3A_174, %sub3A_176, %div3A_155 : i32
      %mul3A = arith.constant 256 : i32
      %mul3A_178 = arith.muli %select_n3A_177, %mul3A : i32
      %add3A_179 = arith.addi %mul3A_178, %while3A_152 : i32
      %mul3A_180 = arith.constant 4096 : i32
      %mul3A_181 = arith.muli %add3A_179, %mul3A_180 : i32
      %multiple_of3A = tpu.assume_multiple %mul3A_181, 4096 : i32
      %multiple_of3A_182 = tpu.assume_multiple %mul3A_181, 4096 : i32
      %dma_start3A = tpu.memref_slice %arg5[%multiple_of3A_182] : memref<33554432xf32, #tpu.memory_space<hbm>> -> memref<4096xf32, #tpu.memory_space<hbm>>
      %dma_start3A_183 = tpu.memref_slice %arg1[%multiple_of3A] : memref<33554432xf32, #tpu.memory_space<hbm>> -> memref<4096xf32, #tpu.memory_space<hbm>>
      tpu.enqueue_dma source(%dma_start3A_183 : memref<4096xf32, #tpu.memory_space<hbm>>) target(%dma_start3A : memref<4096xf32, #tpu.memory_space<hbm>>) target_semaphore(%arg7 : memref<!tpu.dma_semaphore, #tpu.memory_space<semaphore_mem>>)
      %multiple_of3A_184 = tpu.assume_multiple %mul3A_181, 4096 : i32
      %multiple_of3A_185 = tpu.assume_multiple %mul3A_181, 4096 : i32
      %dma_start3A_186 = tpu.memref_slice %arg6[%multiple_of3A_185] : memref<33554432xf32, #tpu.memory_space<hbm>> -> memref<4096xf32, #tpu.memory_space<hbm>>
      %dma_start3A_187 = tpu.memref_slice %arg3[%multiple_of3A_184] : memref<33554432xf32, #tpu.memory_space<hbm>> -> memref<4096xf32, #tpu.memory_space<hbm>>
      tpu.enqueue_dma source(%dma_start3A_187 : memref<4096xf32, #tpu.memory_space<hbm>>) target(%dma_start3A_186 : memref<4096xf32, #tpu.memory_space<hbm>>) target_semaphore(%arg7 : memref<!tpu.dma_semaphore, #tpu.memory_space<semaphore_mem>>)
      %add3A_188 = arith.constant 2 : i32
      %add3A_189 = arith.addi %while3A_153, %add3A_188 : i32
      scf.yield %add3A_189 : i32
    }
    %sub3A_97 = arith.constant 8192 : i32
    %sub3A_98 = arith.subi %sub3A_97, %get3A_0 : i32
    %sub3A_99 = arith.constant 4096 : i32
    %sub3A_100 = arith.subi %sub3A_98, %sub3A_99 : i32
    %jit3A_101 = arith.constant 256 : i32
    %eq3A_102 = arith.constant 0 : i32
    %eq3A_103 = arith.cmpi eq, %jit3A_101, %eq3A_102 : i32
    %jit3A_104 = arith.constant 1 : i32
    %select_n3A_105 = arith.select %eq3A_103, %jit3A_104, %jit3A_101 : i32
    %rem3A_106 = arith.remsi %sub3A_100, %select_n3A_105 : i32
    %ne3A_107 = arith.constant 0 : i32
    %ne3A_108 = arith.cmpi ne, %rem3A_106, %ne3A_107 : i32
    %lt3A_109 = arith.constant 0 : i32
    %lt3A_110 = arith.cmpi slt, %rem3A_106, %lt3A_109 : i32
    %lt3A_111 = arith.constant 0 : i32
    %lt3A_112 = arith.cmpi slt, %select_n3A_105, %lt3A_111 : i32
    %ne3A_113 = arith.xori %lt3A_110, %lt3A_112 : i1
    %and3A_114 = arith.andi %ne3A_113, %ne3A_108 : i1
    %add3A_115 = arith.addi %rem3A_106, %select_n3A_105 : i32
    %select_n3A_116 = arith.select %and3A_114, %add3A_115, %rem3A_106 : i32
    %while3A_117 = arith.constant 0 : i32
    %while3A_118 = arith.subi %select_n3A_116, %while3A_117 : i32
    %while3A_119 = arith.addi %while3A_117, %while3A_118 : i32
    %while3A_120 = arith.constant 1 : i32
    %while3A_121 = arith.divsi %while3A_118, %while3A_120 : i32
    %while3A_122 = arith.muli %while3A_121, %while3A_120 : i32
    %while3A_123 = arith.addi %while3A_117, %while3A_122 : i32
    %while3A_124 = arith.constant 1 : i32
    %while3A_125 = scf.for %while3A_152 = %while3A_117 to %while3A_123 step %while3A_124 iter_args(%while3A_153 = %while3A_96) -> (i32)  : i32 {
      %sub3A_154 = arith.constant 8192 : i32
      %sub3A_155 = arith.subi %sub3A_154, %get3A_0 : i32
      %sub3A_156 = arith.constant 4096 : i32
      %sub3A_157 = arith.subi %sub3A_155, %sub3A_156 : i32
      %jit3A_158 = arith.constant 256 : i32
      %eq3A_159 = arith.constant 0 : i32
      %eq3A_160 = arith.cmpi eq, %jit3A_158, %eq3A_159 : i32
      %jit3A_161 = arith.constant 1 : i32
      %select_n3A_162 = arith.select %eq3A_160, %jit3A_161, %jit3A_158 : i32
      %rem3A_163 = arith.remsi %sub3A_157, %select_n3A_162 : i32
      %ne3A_164 = arith.constant 0 : i32
      %ne3A_165 = arith.cmpi ne, %rem3A_163, %ne3A_164 : i32
      %lt3A_166 = arith.constant 0 : i32
      %lt3A_167 = arith.cmpi slt, %rem3A_163, %lt3A_166 : i32
      %lt3A_168 = arith.constant 0 : i32
      %lt3A_169 = arith.cmpi slt, %select_n3A_162, %lt3A_168 : i32
      %ne3A_170 = arith.xori %lt3A_167, %lt3A_169 : i1
      %and3A_171 = arith.andi %ne3A_170, %ne3A_165 : i1
      %add3A_172 = arith.addi %rem3A_163, %select_n3A_162 : i32
      %select_n3A_173 = arith.select %and3A_171, %add3A_172, %rem3A_163 : i32
      %sub3A_174 = arith.constant 8192 : i32
      %sub3A_175 = arith.subi %sub3A_174, %select_n3A_173 : i32
      %add3A_176 = arith.addi %sub3A_175, %while3A_152 : i32
      %mul3A = arith.constant 4096 : i32
      %mul3A_177 = arith.muli %add3A_176, %mul3A : i32
      %multiple_of3A = tpu.assume_multiple %mul3A_177, 4096 : i32
      %multiple_of3A_178 = tpu.assume_multiple %mul3A_177, 4096 : i32
      %dma_start3A = tpu.memref_slice %arg5[%multiple_of3A_178] : memref<33554432xf32, #tpu.memory_space<hbm>> -> memref<4096xf32, #tpu.memory_space<hbm>>
      %dma_start3A_179 = tpu.memref_slice %arg1[%multiple_of3A] : memref<33554432xf32, #tpu.memory_space<hbm>> -> memref<4096xf32, #tpu.memory_space<hbm>>
      tpu.enqueue_dma source(%dma_start3A_179 : memref<4096xf32, #tpu.memory_space<hbm>>) target(%dma_start3A : memref<4096xf32, #tpu.memory_space<hbm>>) target_semaphore(%arg7 : memref<!tpu.dma_semaphore, #tpu.memory_space<semaphore_mem>>)
      %multiple_of3A_180 = tpu.assume_multiple %mul3A_177, 4096 : i32
      %multiple_of3A_181 = tpu.assume_multiple %mul3A_177, 4096 : i32
      %dma_start3A_182 = tpu.memref_slice %arg6[%multiple_of3A_181] : memref<33554432xf32, #tpu.memory_space<hbm>> -> memref<4096xf32, #tpu.memory_space<hbm>>
      %dma_start3A_183 = tpu.memref_slice %arg3[%multiple_of3A_180] : memref<33554432xf32, #tpu.memory_space<hbm>> -> memref<4096xf32, #tpu.memory_space<hbm>>
      tpu.enqueue_dma source(%dma_start3A_183 : memref<4096xf32, #tpu.memory_space<hbm>>) target(%dma_start3A_182 : memref<4096xf32, #tpu.memory_space<hbm>>) target_semaphore(%arg7 : memref<!tpu.dma_semaphore, #tpu.memory_space<semaphore_mem>>)
      %add3A_184 = arith.constant 2 : i32
      %add3A_185 = arith.addi %while3A_153, %add3A_184 : i32
      scf.yield %add3A_185 : i32
    }
    %while3A_126 = arith.constant 1 : i32
    %while3A_127 = scf.for %while3A_152 = %while3A_123 to %while3A_119 step %while3A_126 iter_args(%while3A_153 = %while3A_125) -> (i32)  : i32 {
      %sub3A_154 = arith.constant 8192 : i32
      %sub3A_155 = arith.subi %sub3A_154, %get3A_0 : i32
      %sub3A_156 = arith.constant 4096 : i32
      %sub3A_157 = arith.subi %sub3A_155, %sub3A_156 : i32
      %jit3A_158 = arith.constant 256 : i32
      %eq3A_159 = arith.constant 0 : i32
      %eq3A_160 = arith.cmpi eq, %jit3A_158, %eq3A_159 : i32
      %jit3A_161 = arith.constant 1 : i32
      %select_n3A_162 = arith.select %eq3A_160, %jit3A_161, %jit3A_158 : i32
      %rem3A_163 = arith.remsi %sub3A_157, %select_n3A_162 : i32
      %ne3A_164 = arith.constant 0 : i32
      %ne3A_165 = arith.cmpi ne, %rem3A_163, %ne3A_164 : i32
      %lt3A_166 = arith.constant 0 : i32
      %lt3A_167 = arith.cmpi slt, %rem3A_163, %lt3A_166 : i32
      %lt3A_168 = arith.constant 0 : i32
      %lt3A_169 = arith.cmpi slt, %select_n3A_162, %lt3A_168 : i32
      %ne3A_170 = arith.xori %lt3A_167, %lt3A_169 : i1
      %and3A_171 = arith.andi %ne3A_170, %ne3A_165 : i1
      %add3A_172 = arith.addi %rem3A_163, %select_n3A_162 : i32
      %select_n3A_173 = arith.select %and3A_171, %add3A_172, %rem3A_163 : i32
      %sub3A_174 = arith.constant 8192 : i32
      %sub3A_175 = arith.subi %sub3A_174, %select_n3A_173 : i32
      %add3A_176 = arith.addi %sub3A_175, %while3A_152 : i32
      %mul3A = arith.constant 4096 : i32
      %mul3A_177 = arith.muli %add3A_176, %mul3A : i32
      %multiple_of3A = tpu.assume_multiple %mul3A_177, 4096 : i32
      %multiple_of3A_178 = tpu.assume_multiple %mul3A_177, 4096 : i32
      %dma_start3A = tpu.memref_slice %arg5[%multiple_of3A_178] : memref<33554432xf32, #tpu.memory_space<hbm>> -> memref<4096xf32, #tpu.memory_space<hbm>>
      %dma_start3A_179 = tpu.memref_slice %arg1[%multiple_of3A] : memref<33554432xf32, #tpu.memory_space<hbm>> -> memref<4096xf32, #tpu.memory_space<hbm>>
      tpu.enqueue_dma source(%dma_start3A_179 : memref<4096xf32, #tpu.memory_space<hbm>>) target(%dma_start3A : memref<4096xf32, #tpu.memory_space<hbm>>) target_semaphore(%arg7 : memref<!tpu.dma_semaphore, #tpu.memory_space<semaphore_mem>>)
      %multiple_of3A_180 = tpu.assume_multiple %mul3A_177, 4096 : i32
      %multiple_of3A_181 = tpu.assume_multiple %mul3A_177, 4096 : i32
      %dma_start3A_182 = tpu.memref_slice %arg6[%multiple_of3A_181] : memref<33554432xf32, #tpu.memory_space<hbm>> -> memref<4096xf32, #tpu.memory_space<hbm>>
      %dma_start3A_183 = tpu.memref_slice %arg3[%multiple_of3A_180] : memref<33554432xf32, #tpu.memory_space<hbm>> -> memref<4096xf32, #tpu.memory_space<hbm>>
      tpu.enqueue_dma source(%dma_start3A_183 : memref<4096xf32, #tpu.memory_space<hbm>>) target(%dma_start3A_182 : memref<4096xf32, #tpu.memory_space<hbm>>) target_semaphore(%arg7 : memref<!tpu.dma_semaphore, #tpu.memory_space<semaphore_mem>>)
      %add3A_184 = arith.constant 2 : i32
      %add3A_185 = arith.addi %while3A_153, %add3A_184 : i32
      scf.yield %add3A_185 : i32
    }
    %while3A_128 = arith.constant 0 : i32
    %while3A_129 = arith.constant 0 : i32
    %while3A_130 = arith.subi %while3A_71, %while3A_128 : i32
    %while3A_131 = arith.addi %while3A_128, %while3A_130 : i32
    %while3A_132 = arith.constant 1 : i32
    %while3A_133 = arith.divsi %while3A_130, %while3A_132 : i32
    %while3A_134 = arith.muli %while3A_133, %while3A_132 : i32
    %while3A_135 = arith.addi %while3A_128, %while3A_134 : i32
    %while3A_136 = arith.constant 1 : i32
    %while3A_137 = scf.for %while3A_152 = %while3A_128 to %while3A_135 step %while3A_136 iter_args(%while3A_153 = %while3A_129) -> (i32)  : i32 {
      %dma_wait3A = arith.constant 0 : i32
      %dma_wait3A_154 = tpu.memref_slice %arg5[%dma_wait3A] : memref<33554432xf32, #tpu.memory_space<hbm>> -> memref<1048576xf32, #tpu.memory_space<hbm>>
      %dma_wait3A_155 = arith.constant 0 : i32
      %dma_wait3A_156 = tpu.memref_slice %arg5[%dma_wait3A_155] : memref<33554432xf32, #tpu.memory_space<hbm>> -> memref<1048576xf32, #tpu.memory_space<hbm>>
      tpu.wait_dma2 semaphore(%arg7 : memref<!tpu.dma_semaphore, #tpu.memory_space<semaphore_mem>>) src(%dma_wait3A_156 : memref<1048576xf32, #tpu.memory_space<hbm>>) dst(%dma_wait3A_154 : memref<1048576xf32, #tpu.memory_space<hbm>>)
      %while3A_157 = arith.constant 0 : i32
      scf.yield %while3A_157 : i32
    }
    %while3A_138 = arith.constant 1 : i32
    %while3A_139 = scf.for %while3A_152 = %while3A_135 to %while3A_131 step %while3A_138 iter_args(%while3A_153 = %while3A_137) -> (i32)  : i32 {
      %dma_wait3A = arith.constant 0 : i32
      %dma_wait3A_154 = tpu.memref_slice %arg5[%dma_wait3A] : memref<33554432xf32, #tpu.memory_space<hbm>> -> memref<1048576xf32, #tpu.memory_space<hbm>>
      %dma_wait3A_155 = arith.constant 0 : i32
      %dma_wait3A_156 = tpu.memref_slice %arg5[%dma_wait3A_155] : memref<33554432xf32, #tpu.memory_space<hbm>> -> memref<1048576xf32, #tpu.memory_space<hbm>>
      tpu.wait_dma2 semaphore(%arg7 : memref<!tpu.dma_semaphore, #tpu.memory_space<semaphore_mem>>) src(%dma_wait3A_156 : memref<1048576xf32, #tpu.memory_space<hbm>>) dst(%dma_wait3A_154 : memref<1048576xf32, #tpu.memory_space<hbm>>)
      %while3A_157 = arith.constant 0 : i32
      scf.yield %while3A_157 : i32
    }
    %while3A_140 = arith.constant 0 : i32
    %while3A_141 = arith.constant 0 : i32
    %while3A_142 = arith.subi %while3A_127, %while3A_140 : i32
    %while3A_143 = arith.addi %while3A_140, %while3A_142 : i32
    %while3A_144 = arith.constant 1 : i32
    %while3A_145 = arith.divsi %while3A_142, %while3A_144 : i32
    %while3A_146 = arith.muli %while3A_145, %while3A_144 : i32
    %while3A_147 = arith.addi %while3A_140, %while3A_146 : i32
    %while3A_148 = arith.constant 1 : i32
    %while3A_149 = scf.for %while3A_152 = %while3A_140 to %while3A_147 step %while3A_148 iter_args(%while3A_153 = %while3A_141) -> (i32)  : i32 {
      %dma_wait3A = arith.constant 0 : i32
      %dma_wait3A_154 = tpu.memref_slice %arg5[%dma_wait3A] : memref<33554432xf32, #tpu.memory_space<hbm>> -> memref<4096xf32, #tpu.memory_space<hbm>>
      %dma_wait3A_155 = arith.constant 0 : i32
      %dma_wait3A_156 = tpu.memref_slice %arg5[%dma_wait3A_155] : memref<33554432xf32, #tpu.memory_space<hbm>> -> memref<4096xf32, #tpu.memory_space<hbm>>
      tpu.wait_dma2 semaphore(%arg7 : memref<!tpu.dma_semaphore, #tpu.memory_space<semaphore_mem>>) src(%dma_wait3A_156 : memref<4096xf32, #tpu.memory_space<hbm>>) dst(%dma_wait3A_154 : memref<4096xf32, #tpu.memory_space<hbm>>)
      %while3A_157 = arith.constant 0 : i32
      scf.yield %while3A_157 : i32
    }
    %while3A_150 = arith.constant 1 : i32
    %while3A_151 = scf.for %while3A_152 = %while3A_147 to %while3A_143 step %while3A_150 iter_args(%while3A_153 = %while3A_149) -> (i32)  : i32 {
      %dma_wait3A = arith.constant 0 : i32
      %dma_wait3A_154 = tpu.memref_slice %arg5[%dma_wait3A] : memref<33554432xf32, #tpu.memory_space<hbm>> -> memref<4096xf32, #tpu.memory_space<hbm>>
      %dma_wait3A_155 = arith.constant 0 : i32
      %dma_wait3A_156 = tpu.memref_slice %arg5[%dma_wait3A_155] : memref<33554432xf32, #tpu.memory_space<hbm>> -> memref<4096xf32, #tpu.memory_space<hbm>>
      tpu.wait_dma2 semaphore(%arg7 : memref<!tpu.dma_semaphore, #tpu.memory_space<semaphore_mem>>) src(%dma_wait3A_156 : memref<4096xf32, #tpu.memory_space<hbm>>) dst(%dma_wait3A_154 : memref<4096xf32, #tpu.memory_space<hbm>>)
      %while3A_157 = arith.constant 0 : i32
      scf.yield %while3A_157 : i32
    }
    return
  }
}

module attributes {stable_mosaic.version = 14 : i64} {
  func.func @_block_body1(%arg0: i32, %arg1: memref<1xi32, #tpu.memory_space<smem>>, %arg2: memref<256x32x128xf32, #tpu.memory_space<vmem>>, %arg3: memref<256x32x128xf32, #tpu.memory_space<vmem>>, %arg4: memref<256x32x128xf32, #tpu.memory_space<vmem>>) attributes {dimension_semantics = [#tpu.dimension_semantics<arbitrary>], iteration_bounds = array<i64: 32>, scalar_prefetch = 1 : i64, scratch_operands = 0 : i64, tpu.core_type = #tpu.core_type<tc>, window_params = [{transform_indices = @transform_0, window_bounds = array<i64: 256, 32, 128>}, {transform_indices = @transform_1, window_bounds = array<i64: 256, 32, 128>}, {transform_indices = @transform_2, window_bounds = array<i64: 256, 32, 128>}]} {
    %get3A = arith.constant 0 : index
    %get3A_0 = memref.load %arg1[%get3A] : memref<1xi32, #tpu.memory_space<smem>>
    %jit3A = arith.constant 256 : i32
    %div3A = arith.divsi %get3A_0, %jit3A : i32
    %sign3A = arith.constant 0 : i32
    %sign3A_1 = arith.cmpi sgt, %get3A_0, %sign3A : i32
    %sign3A_2 = arith.extui %sign3A_1 : i1 to i32
    %sign3A_3 = arith.constant 0 : i32
    %sign3A_4 = arith.cmpi slt, %get3A_0, %sign3A_3 : i32
    %sign3A_5 = arith.extui %sign3A_4 : i1 to i32
    %sign3A_6 = arith.subi %sign3A_2, %sign3A_5 : i32
    %sign3A_7 = arith.constant 0 : i32
    %sign3A_8 = arith.cmpi sgt, %jit3A, %sign3A_7 : i32
    %sign3A_9 = arith.extui %sign3A_8 : i1 to i32
    %sign3A_10 = arith.constant 0 : i32
    %sign3A_11 = arith.cmpi slt, %jit3A, %sign3A_10 : i32
    %sign3A_12 = arith.extui %sign3A_11 : i1 to i32
    %sign3A_13 = arith.subi %sign3A_9, %sign3A_12 : i32
    %ne3A = arith.cmpi ne, %sign3A_6, %sign3A_13 : i32
    %rem3A = arith.remsi %get3A_0, %jit3A : i32
    %ne3A_14 = arith.constant 0 : i32
    %ne3A_15 = arith.cmpi ne, %rem3A, %ne3A_14 : i32
    %and3A = arith.andi %ne3A, %ne3A_15 : i1
    %sub3A = arith.constant 1 : i32
    %sub3A_16 = arith.subi %div3A, %sub3A : i32
    %select_n3A = arith.select %and3A, %sub3A_16, %div3A : i32
    %ge3A = arith.cmpi sge, %arg0, %select_n3A : i32
    %add3A = arith.constant 16 : i32
    %add3A_17 = arith.addi %select_n3A, %add3A : i32
    %lt3A = arith.cmpi slt, %arg0, %add3A_17 : i32
    %and3A_18 = arith.andi %ge3A, %lt3A : i1
    %convert_element_type3A = arith.extui %and3A_18 : i1 to i32
    %cond3A = arith.constant 0 : i32
    %cond3A_19 = arith.cmpi ne, %convert_element_type3A, %cond3A : i32
    scf.if %cond3A_19 {
      %get3A_24 = arith.constant 0 : index
      %get3A_25 = arith.constant 0 : index
      %get3A_26 = arith.constant 0 : index
      %get3A_27 = vector.load %arg3[%get3A_24, %get3A_25, %get3A_26] : memref<256x32x128xf32, #tpu.memory_space<vmem>>, vector<256x32x128xf32>
      %swap3A = arith.constant 0 : index
      %swap3A_28 = arith.constant 0 : index
      %swap3A_29 = arith.constant 0 : index
      %swap3A_30 = vector.load %arg4[%swap3A, %swap3A_28, %swap3A_29] : memref<256x32x128xf32, #tpu.memory_space<vmem>>, vector<256x32x128xf32>
      tpu.vector_store %arg4[%swap3A, %swap3A_28, %swap3A_29], %get3A_27 {strides = array<i32>} : memref<256x32x128xf32, #tpu.memory_space<vmem>>, vector<256x32x128xf32>,
    } else {
    }
    %not3A = arith.constant true
    %not3A_20 = arith.xori %and3A_18, %not3A : i1
    %convert_element_type3A_21 = arith.extui %not3A_20 : i1 to i32
    %cond3A_22 = arith.constant 0 : i32
    %cond3A_23 = arith.cmpi ne, %convert_element_type3A_21, %cond3A_22 : i32
    scf.if %cond3A_23 {
      %get3A_24 = arith.constant 0 : index
      %get3A_25 = arith.constant 0 : index
      %get3A_26 = arith.constant 0 : index
      %get3A_27 = vector.load %arg2[%get3A_24, %get3A_25, %get3A_26] : memref<256x32x128xf32, #tpu.memory_space<vmem>>, vector<256x32x128xf32>
      %swap3A = arith.constant 0 : index
      %swap3A_28 = arith.constant 0 : index
      %swap3A_29 = arith.constant 0 : index
      %swap3A_30 = vector.load %arg4[%swap3A, %swap3A_28, %swap3A_29] : memref<256x32x128xf32, #tpu.memory_space<vmem>>, vector<256x32x128xf32>
      tpu.vector_store %arg4[%swap3A, %swap3A_28, %swap3A_29], %get3A_27 {strides = array<i32>} : memref<256x32x128xf32, #tpu.memory_space<vmem>>, vector<256x32x128xf32>,
    } else {
    }
    return
  }
  func.func @transform_0(%arg0: i32, %arg1: memref<1xi32, #tpu.memory_space<smem>>) -> (i32, i32, i32) {
    %get3A = arith.constant 0 : index
    %get3A_0 = memref.load %arg1[%get3A] : memref<1xi32, #tpu.memory_space<smem>>
    %jit3A = arith.constant 256 : i32
    %div3A = arith.divsi %get3A_0, %jit3A : i32
    %sign3A = arith.constant 0 : i32
    %sign3A_1 = arith.cmpi sgt, %get3A_0, %sign3A : i32
    %sign3A_2 = arith.extui %sign3A_1 : i1 to i32
    %sign3A_3 = arith.constant 0 : i32
    %sign3A_4 = arith.cmpi slt, %get3A_0, %sign3A_3 : i32
    %sign3A_5 = arith.extui %sign3A_4 : i1 to i32
    %sign3A_6 = arith.subi %sign3A_2, %sign3A_5 : i32
    %sign3A_7 = arith.constant 0 : i32
    %sign3A_8 = arith.cmpi sgt, %jit3A, %sign3A_7 : i32
    %sign3A_9 = arith.extui %sign3A_8 : i1 to i32
    %sign3A_10 = arith.constant 0 : i32
    %sign3A_11 = arith.cmpi slt, %jit3A, %sign3A_10 : i32
    %sign3A_12 = arith.extui %sign3A_11 : i1 to i32
    %sign3A_13 = arith.subi %sign3A_9, %sign3A_12 : i32
    %ne3A = arith.cmpi ne, %sign3A_6, %sign3A_13 : i32
    %rem3A = arith.remsi %get3A_0, %jit3A : i32
    %ne3A_14 = arith.constant 0 : i32
    %ne3A_15 = arith.cmpi ne, %rem3A, %ne3A_14 : i32
    %and3A = arith.andi %ne3A, %ne3A_15 : i1
    %sub3A = arith.constant 1 : i32
    %sub3A_16 = arith.subi %div3A, %sub3A : i32
    %select_n3A = arith.select %and3A, %sub3A_16, %div3A : i32
    %add3A = arith.constant 16 : i32
    %add3A_17 = arith.addi %select_n3A, %add3A : i32
    %sub3A_18 = arith.constant 1 : i32
    %sub3A_19 = arith.subi %select_n3A, %sub3A_18 : i32
    %max3A = arith.constant 0 : i32
    %max3A_20 = arith.maxsi %sub3A_19, %max3A : i32
    %lt3A = arith.cmpi slt, %arg0, %select_n3A : i32
    %ge3A = arith.cmpi sge, %arg0, %add3A_17 : i32
    %or3A = arith.ori %lt3A, %ge3A : i1
    %select_n3A_21 = arith.select %or3A, %arg0, %max3A_20 : i32
    %c0_i32 = arith.constant 0 : i32
    %c0_i32_22 = arith.constant 0 : i32
    %c0_i32_23 = arith.constant 0 : i32
    return %select_n3A_21, %c0_i32, %c0_i32_22 : i32, i32, i32
  }
  func.func @transform_1(%arg0: i32, %arg1: memref<1xi32, #tpu.memory_space<smem>>) -> (i32, i32, i32) {
    %get3A = arith.constant 0 : index
    %get3A_0 = memref.load %arg1[%get3A] : memref<1xi32, #tpu.memory_space<smem>>
    %jit3A = arith.constant 256 : i32
    %div3A = arith.divsi %get3A_0, %jit3A : i32
    %sign3A = arith.constant 0 : i32
    %sign3A_1 = arith.cmpi sgt, %get3A_0, %sign3A : i32
    %sign3A_2 = arith.extui %sign3A_1 : i1 to i32
    %sign3A_3 = arith.constant 0 : i32
    %sign3A_4 = arith.cmpi slt, %get3A_0, %sign3A_3 : i32
    %sign3A_5 = arith.extui %sign3A_4 : i1 to i32
    %sign3A_6 = arith.subi %sign3A_2, %sign3A_5 : i32
    %sign3A_7 = arith.constant 0 : i32
    %sign3A_8 = arith.cmpi sgt, %jit3A, %sign3A_7 : i32
    %sign3A_9 = arith.extui %sign3A_8 : i1 to i32
    %sign3A_10 = arith.constant 0 : i32
    %sign3A_11 = arith.cmpi slt, %jit3A, %sign3A_10 : i32
    %sign3A_12 = arith.extui %sign3A_11 : i1 to i32
    %sign3A_13 = arith.subi %sign3A_9, %sign3A_12 : i32
    %ne3A = arith.cmpi ne, %sign3A_6, %sign3A_13 : i32
    %rem3A = arith.remsi %get3A_0, %jit3A : i32
    %ne3A_14 = arith.constant 0 : i32
    %ne3A_15 = arith.cmpi ne, %rem3A, %ne3A_14 : i32
    %and3A = arith.andi %ne3A, %ne3A_15 : i1
    %sub3A = arith.constant 1 : i32
    %sub3A_16 = arith.subi %div3A, %sub3A : i32
    %select_n3A = arith.select %and3A, %sub3A_16, %div3A : i32
    %sub3A_17 = arith.subi %arg0, %select_n3A : i32
    %jit3A_18 = arith.constant 0 : i32
    %jit3A_19 = arith.constant 15 : i32
    %max3A = arith.maxsi %jit3A_18, %sub3A_17 : i32
    %min3A = arith.minsi %jit3A_19, %max3A : i32
    %c0_i32 = arith.constant 0 : i32
    %c0_i32_20 = arith.constant 0 : i32
    %c0_i32_21 = arith.constant 0 : i32
    return %min3A, %c0_i32, %c0_i32_20 : i32, i32, i32
  }
  func.func @transform_2(%arg0: i32, %arg1: memref<1xi32, #tpu.memory_space<smem>>) -> (i32, i32, i32) {
    %c0_i32 = arith.constant 0 : i32
    %c0_i32_0 = arith.constant 0 : i32
    %c0_i32_1 = arith.constant 0 : i32
    return %arg0, %c0_i32, %c0_i32_0 : i32, i32, i32
  }
}

</mosaic_0001>

<sc_bundles>
// kernel: branch_1_fun.4.cloned.1.call-start
scs
__scs_entry_jumppad:
0x0: {  	(pc) =	sbr.rel $0x88, $3  }
0x1: {  	(tag) =	ssettag $0x0;
	lr =	simm.s32 $0x1  }
0x2: {  	[smem:$0x3F9C] =	sst lr;
	_ =	strace $0xD0000000  }
0x3: {  	_ = 	snop  }
0x4: {  	_ = 	snop  }
0x5: {  	_ = 	snop  }
0x6: {  	_ = 	snop  }
0x7: {  	_ = 	snop  }
__scs_overlays_trampoline_lowered:
0x8: {  	[smem:$0x3FAB] =	sst s0  }
0x9: {  	[smem:$0x3FAC] =	sst s1  }
0xa: {  	[smem:$0x3FAD] =	sst s2  }
0xb: {  	[smem:$0x3FAE] =	sst s3  }
0xc: {  	[smem:$0x3FAF] =	sst s4  }
0xd: {  	[smem:$0x3FB0] =	sst s5  }
0xe: {  	[smem:$0x3FB1] =	sst s6  }
0xf: {  	[smem:$0x3FB2] =	sst s7  }
0x10: {  	[smem:$0x3FB3] =	sst s8  }
0x11: {  	[smem:$0x3FB4] =	sst s9;
	s0 =	simm.s32 @!p0 $0x0  }
0x12: {  	s1 =	sld [smem:$0x3F9A];
	s0 =	simm.s32 @p0 $0x1  }
0x13: {  	[smem:$0x3FB5] =	sst s0;
	s0 =	simm.s32 @!p1 $0x0  }
0x14: {  	s2 =	sld [smem:$0x3F99];
	s0 =	simm.s32 @p1 $0x1  }
0x15: {  	[smem:$0x3FB6] =	sst s0;
	s0 =	simm.s32 @!p2 $0x0  }
0x16: {  	s3 =	sld [smem:$0x3FDB];
	s0 =	simm.s32 @p2 $0x1  }
0x17: {  	s4 =	simm.s32 $0x1BF5;
	[smem:$0x3FB8] =	sst s0  }
0x18: {  	s0 =	sld [smem:$0x3F9B];
	_ =	swait.ge [sflag:s4], $0x0  }
0x19: {  	s7 =	sld [smem:$0x3F9C]  }
0x1a: {  	s8 =	sadd.s32 $0xFFFFE003, lr  }
0x1b: {  	s9 =	sadd.s32 $0xFFFFFEF7, lr;
	s5 =	simm.s32 $0xFFFFFFFF;
	p2 =	slt.u32 s8, $0xFFFFF086  }
0x1c: {  	p1 =	slt.u32 s9, $0xF7A;
	s5 =	simm.s32 @!p2 $0x0  }
0x1d: {  	s5 =	simm.s32 @p1 $0x1;
	p0 =	seq.s32 s7, s2  }
0x1e: {  	s7 =	smul.u32 @!p0 $0xF7A, s2;
	p2 =	seq.s32 @!p0 s5, $0x0  }
0x1f: {  	s9 =	smul.u32 $0xF7A, s1;
	s8 =	simm.s32 @!p0 $0x1BF5;
	p2 =	por !p2, p0  }
0x20: {  	[sflag:s8] =	ssyncset.s32 @!p0 $0xFFFFF086;
	s6 =	sadd.s32 @!p0 s3, s7;
	s7 =	simm.s32 @!p0 $0x108  }
0x21: {  	s3 =	sadd.s32 s3, s9;
	s6 =	sadd.s32 @!p0 $0x88, s6;
	s7 =	simm.s32 @p2 $0x1082  }
0x22: {  	[simem:s7], [sflag:s8] =	dma.local @!p0 [hbm:s6], $0xF7A  }
0x23: {  	s9 =	sor.u32 $0xD0000000, s2;
	s6 =	simm.s32 $0x108;
	_ =	swait.ge @!p0 [sflag:s8], $0x0  }
0x24: {  	s3 =	sadd.s32 $0x88, s3;
	s6 =	simm.s32 @!p1 $0x1082;
	[sflag:s4] =	ssyncset.s32 $0xFFFFF086  }
0x25: {  	[simem:s6], [sflag:s4] =	dma.local [hbm:s3], $0xF7A  }
0x26: {  	[smem:$0x3F9C] =	sst s1;
	(tag) =	ssettag s2;
	_ =	strace s9  }
0x27: {  	s1 =	sld [smem:$0x3FAC]  }
0x28: {  	s2 =	sld [smem:$0x3FAD]  }
0x29: {  	s4 =	sld [smem:$0x3FAF]  }
0x2a: {  	p0 =	seq.s32 s5, $0x0;
	s5 =	sld [smem:$0x3FB0]  }
0x2b: {  	s6 =	sld [smem:$0x3FB1]  }
0x2c: {  	s7 =	sld [smem:$0x3FB2]  }
0x2d: {  	s3 =	simm.s32 $0x108;
	s8 =	sld [smem:$0x3FB3]  }
0x2e: {  	s3 =	simm.s32 @!p0 $0x1082;
	s9 =	sld [smem:$0x3FB4]  }
0x2f: {  	lr =	sadd.s32 s0, s3;
	s0 =	sld [smem:$0x3FAB]  }
0x30: {  	s3 =	sld [smem:$0x3FAE]  }
0x31: {  	[smem:$0x3FB7] =	sst s10  }
0x32: {  	s10 =	sld [smem:$0x3FB5];
	_ =	sdelay $0x3  }
0x33: {  	p0 =	seq.s32 s10, $0x1;
	s10 =	sld [smem:$0x3FB7];
	_ =	sdelay $0x3  }
0x34: {  	[smem:$0x3FB7] =	sst s10  }
0x35: {  	s10 =	sld [smem:$0x3FB6];
	_ =	sdelay $0x3  }
0x36: {  	p1 =	seq.s32 s10, $0x1;
	s10 =	sld [smem:$0x3FB7];
	_ =	sdelay $0x3  }
0x37: {  	[smem:$0x3FB7] =	sst s10  }
0x38: {  	s10 =	sld [smem:$0x3FB8]  }
0x39: {  	_ = 	snop;
	(pc) =	sbr.ind lr, $3  }
0x3a: {  	_ = 	snop  }
0x3b: {  	_ = 	snop  }
0x3c: {  	p2 =	seq.s32 s10, $0x1;
	s10 =	sld [smem:$0x3FB7]  }
0x3d: {  	_ =	shalt  }
0x3e: {  	_ =	shalt  }
0x3f: {  	_ =	shalt  }
0x40: {  	_ =	shalt  }
0x41: {  	_ =	shalt  }
0x42: {  	_ =	shalt  }
0x43: {  	_ =	shalt  }
0x44: {  	_ =	shalt  }
0x45: {  	_ =	shalt  }
0x46: {  	_ =	shalt  }
0x47: {  	_ =	shalt  }
0x48: {  	_ =	shalt  }
0x49: {  	_ =	shalt  }
0x4a: {  	_ =	shalt  }
0x4b: {  	_ =	shalt  }
0x4c: {  	_ =	shalt  }
0x4d: {  	_ =	shalt  }
0x4e: {  	_ =	shalt  }
0x4f: {  	_ =	shalt  }
0x50: {  	_ =	shalt  }
0x51: {  	_ =	shalt  }
0x52: {  	_ =	shalt  }
0x53: {  	_ =	shalt  }
0x54: {  	_ =	shalt  }
0x55: {  	_ =	shalt  }
0x56: {  	_ =	shalt  }
0x57: {  	_ =	shalt  }
0x58: {  	_ =	shalt  }
0x59: {  	_ =	shalt  }
0x5a: {  	_ =	shalt  }
0x5b: {  	_ =	shalt  }
0x5c: {  	_ =	shalt  }
0x5d: {  	_ =	shalt  }
0x5e: {  	_ =	shalt  }
0x5f: {  	_ =	shalt  }
0x60: {  	_ =	shalt  }
0x61: {  	_ =	shalt  }
0x62: {  	_ =	shalt  }
0x63: {  	_ =	shalt  }
0x64: {  	_ =	shalt  }
0x65: {  	_ =	shalt  }
0x66: {  	_ =	shalt  }
0x67: {  	_ =	shalt  }
0x68: {  	_ =	shalt  }
0x69: {  	_ =	shalt  }
0x6a: {  	_ =	shalt  }
0x6b: {  	_ =	shalt  }
0x6c: {  	_ =	shalt  }
0x6d: {  	_ =	shalt  }
0x6e: {  	_ =	shalt  }
0x6f: {  	_ =	shalt  }
0x70: {  	_ =	shalt  }
0x71: {  	_ =	shalt  }
0x72: {  	_ =	shalt  }
0x73: {  	_ =	shalt  }
0x74: {  	_ =	shalt  }
0x75: {  	_ =	shalt  }
0x76: {  	_ =	shalt  }
0x77: {  	_ =	shalt  }
0x78: {  	_ =	shalt  }
0x79: {  	_ =	shalt  }
0x7a: {  	_ =	shalt  }
0x7b: {  	_ =	shalt  }
0x7c: {  	_ =	shalt  }
0x7d: {  	_ =	shalt  }
0x7e: {  	_ =	shalt  }
0x7f: {  	_ =	shalt  }
0x80: {  	_ =	shalt  }
0x81: {  	_ =	shalt  }
0x82: {  	_ =	shalt  }
0x83: {  	_ =	shalt  }
0x84: {  	_ =	shalt  }
0x85: {  	_ =	shalt  }
0x86: {  	_ =	shalt  }
0x87: {  	_ =	shalt  }
.Lfunc_end0:
.L_simem_size_0:
called_computation_lowered:
.L_overlay_start_0:
0x88: {  	s2 =	sld [smem:$0x3FD9]  }
0x89: {  	s3 =	sld [smem:$0x3FFE];
	_ =	sdelay $0x1  }
0x8a: {  	s1 =	srdreg.scid  }
0x8b: {  	s0 =	sand.u32 $0x1, s1  }
0x8c: {  	s14 =	sshll.u32 s0, $0xA;
	s2 =	sadd.s32 s3, s2  }
0x8d: {  	s2 =	sadd.s32 s2, s14  }
0x8e: {  	[smem:$0x3FC3] =	sst s2  }
0x8f: {  	_ = 	snop  }
0x90: {  	s2 =	sld [smem:$0x3FD0];
	_ =	sdelay $0x1  }
0x91: {  	s15 =	sld [smem:$0x3FC9]  }
0x92: {  	s5 =	simm.s32 $0xA;
	s6 =	simm.s32 $0x10;
	s4 =	sld [smem:$0x3FC7]  }
0x93: {  	[smem:s6], [sflag:s5] =	dma.local [hbm:s2], $0x1  }
0x94: {  	_ =	swait.eq [sflag:s5], $0x1  }
0x95: {  	[sflag:s5] =	ssyncset.done $0x0  }
0x96: {  	[sflag:s5] =	ssyncadd.s32 $0xFFFFFFFF  }
0x97: {  	s16 =	sld [smem:$0x11];
	(tm) =	ssettm $0x1  }
0x98: {  	s17 =	sld [smem:$0x3FFB];
	_ =	sdelay $0x3  }
0x99: {  	_ =	strace s17  }
0x9a: {  	s5 =	sld [smem:$0x3FFC];
	_ =	sdelay $0x3  }
0x9b: {  	_ =	strace s5  }
0x9c: {  	s5 =	sld [smem:$0x3FFD];
	_ =	sdelay $0x3  }
0x9d: {  	_ =	strace s5  }
0x9e: {  	_ =	strace $0x8FFFFFFF  }
0x9f: {  	s18 =	sld [smem:$0x3FDB];
	_ =	sdelay $0x1  }
0xa0: {  	s19 =	simm.s32 $_scs_section_size  }
0xa1: {  	s7 =	simm.s32 $_size__tile_overlayer_lowered;
	s8 =	simm.s32 $_tile_overlayer_lowered  }
0xa2: {  	s22 =	simm.s32 $0x1BFF;
	s21 =	sshll.u32 s8, $0x1;
	s5 =	sadd.s32 s19, s18  }
0xa3: {  	s9 =	simm.s32 $0x0;
	s20 =	sshll.u32 s7, $0x1;
	s7 =	sadd.s32 s21, s5  }
0xa4: {  	[timem:s9], [sflag:s22] =	dma.local [hbm:s7], s20  }
0xa5: {  	_ =	swait.ge [sflag:s22], s20  }
0xa6: {  	s6 =	ssub.s32 $0x0, s20;
	[sflag:s22] =	ssyncset.done $0x0  }
0xa7: {  	[sflag:s22] =	ssyncadd.s32 s6;
	_ =	sdelay $0x1  }
0xa8: {  	s23 =	simm.s32 $0x1B8B  }
0xa9: {  	_ =	swait.ge [sflag:s23], $0x1  }
0xaa: {  	[sflag:s23] =	ssyncset.done $0x0  }
0xab: {  	s25 =	simm.s32 $0x1B8E;
	s24 =	sld [smem:$0x3FFE];
	[sflag:s23] =	ssyncadd.s32 $0xFFFFFFFF  }
0xac: {  	s26 =	simm.s32 $execute0_lowered;
	[smem:$0x3FD2] =	sst s25  }
0xad: {  	s7 =	sshll.u32 s26, $0x1;
	_ =	strace $0x80000046;
	[dreg:$0x1] =	wrdreg $0xFFFFFFFF  }
0xae: {  	s28 =	simm.s32 $_size_execute0_lowered;
	s5 =	sadd.s32 s5, s7;
	[dreg:$0x0] =	wrdreg $0x0  }
0xaf: {  	s7 =	sshll.u32 s28, $0x1;
	[dreg:$0x2] =	wrdreg s5  }
0xb0: {  	[dreg:$0x3] =	wrdreg s7  }
0xb1: {  	[dreg:$0x4] =	wrdreg $0xC0  }
0xb2: {  	_ =	task [dreg:s9], $0x5FFFF  }
0xb3: {  	[dreg:$0x1] =	wrdreg $0xFFFFFFFF  }
0xb4: {  	[dreg:$0x0] =	wrdreg $0x60  }
0xb5: {  	[dreg:$0x2] =	wrdreg s15  }
0xb6: {  	[dreg:$0x3] =	wrdreg s4  }
0xb7: {  	[dreg:$0x4] =	wrdreg s24  }
0xb8: {  	[dreg:$0x5] =	wrdreg s16  }
0xb9: {  	[dreg:$0x6] =	wrdreg $0x9  }
0xba: {  	_ =	task.clear_ibuf [dreg:s9], $0x7FFFF;
	_ =	strace $0x90000046  }
0xbb: {  	s29 =	simm.s32 $0x9;
	_ =	strace $0x80000048  }
0xbc: {  	_ =	swait.ge [sflag:s29], $0x1  }
0xbd: {  	[sflag:s29] =	ssyncadd.s32 $0xFFFFFFFF  }
0xbe: {  	_ =	strace $0x90000048  }
0xbf: {  	_ =	sfence  }
0xc0: {  	s30 =	sld [smem:$0x0];
	_ =	sdelay $0x2  }
0xc1: {  	s31 =	sshll.u32 s1, $0xD;
	s1 =	sshrl.u32 s1, $0x2  }
0xc2: {  	s3 =	sand.u32 $0x4000, s31;
	s1 =	sadd.s32 s1, s30  }
0xc3: {  	s0 =	sor.u32 s3, s0;
	s1 =	sshll.u32 s1, $0x11  }
0xc4: {  	s0 =	sor.u32 s1, s0  }
0xc5: {  	s0 =	sadd.s32 $0x8F2B, s0  }
0xc6: {  	[sflag:s0] =	ssyncadd.remote.s32 $0x1  }
0xc7: {  	_ =	sfence.sel $0xFFFF  }
0xc8: {  	[dreg:$0x0] =	wrdreg $0xFFFFFFFF;
	(pc) =	sbr.abs _section_cstart, $3  }
0xc9: {  	[dreg:$0x1] =	wrdreg $0xFFFFFFFF  }
0xca: {  	_ =	task.clear_ibuf [dreg:s9], $0x2FFFF;
	_ =	strace $0x9FFFFFFF  }
0xcb: {  	(tm) =	ssettm $0x7FFFFFFF  }
tec
execute0_lowered:
.L_overlay_start_1:
0x0: {  	(tag) =	ssettag $0x1  }
0x1: {  	s30 =	rddreg [dreg:$0x0]  }
0x2: {  	s2 =	rddreg [dreg:$0x1]  }
0x3: {  	s0 =	rddreg [dreg:$0x2]  }
0x4: {  	s3 =	rddreg [dreg:$0x3];
	s4 =	simm.s32 $0x0;
	s5 =	srdreg.scid  }
0x5: {  	s1 =	stileid.u32;
	s31 =	simm.s32 $0x0;
	[smem:$0x7FF] =	sst s4  }
0x6: {  	s5 =	sand.u32 $0x1, s5;
	s6 =	sshll.u32 s1, $0x9;
	s0 =	sadd.s32 $0xE00, s0  }
0x7: {  	s12 =	sshll.u32 s1, $0x15;
	s28 =	sshll.u32 s1, $0x12;
	_ =	strace $0x80000047  }
0x8: {  	s7 =	ssub.s32 $0x2, s5;
	s8 =	sshll.u32 s5, $0x8;
	[dreg:$0x5] =	wrdreg s0  }
0x9: {  	s13 =	sshll.u32 s5, $0x14;
	s5 =	sshll.u32 s5, $0x11;
	s20 =	sshrl.u32 s7, $0x1  }
0xa: {  	s6 =	sor.u32 s8, s6;
	s13 =	sor.u32 s13, s12;
	s0 =	ssub.s32 s7, s20  }
0xb: {  	s21 =	sor.u32 $0x4, s6;
	s22 =	sor.u32 $0x8, s6;
	s9 =	sor.u32 $0xC, s6  }
0xc: {  	s10 =	sor.u32 $0x10, s6;
	s11 =	sor.u32 $0x14, s6;
	s12 =	sor.u32 $0x18, s6  }
0xd: {  	s14 =	sor.u32 $0x18000, s13;
	s15 =	sor.u32 $0x10000, s13;
	s24 =	sor.u32 $0x8000, s13  }
0xe: {  	s17 =	sor.u32 $0x14000, s13;
	s18 =	sor.u32 $0xC000, s13;
	s26 =	sor.u32 $0x4000, s13  }
0xf: {  	s20 =	sor.u32 s5, s28;
	s29 =	sor.u32 $0x34, s6;
	[dreg:$0x6] =	wrdreg s21  }
0x10: {  	[dreg:$0x7] =	wrdreg s22;
	s0 =	smax.u32 s0, $0x1;
	s23 =	sshrl.u32 s14, $0x3  }
0x11: {  	s15 =	sshrl.u32 s15, $0x3;
	s25 =	sshrl.u32 s17, $0x3;
	[dreg:$0x9] =	wrdreg s29  }
0x12: {  	s18 =	sshrl.u32 s18, $0x3;
	s22 =	sadd.s32 s3, s20;
	[dreg:$0x8] =	wrdreg s0  }
0x13: {  	s14 =	sadd.s32 s23, s3;
	s15 =	sadd.s32 s15, s3;
	s0 =	sshrl.u32 s24, $0x3  }
0x14: {  	s17 =	sadd.s32 s25, s3;
	s16 =	sadd.s32 s0, s3;
	s0 =	sshrl.u32 s26, $0x3  }
0x15: {  	s18 =	sadd.s32 s18, s3;
	s19 =	sadd.s32 s0, s3;
	s0 =	simm.s32 $0x1  }
.LBB2_1:
0x16: {  	s1 =	rddreg [dreg:$0x5];
	s3 =	simm.s32 $0x1C000;
	s7 =	simm.s32 $0xF  }
0x17: {  	[tilespmem:s3], [sflag:$0xF] =	stream.linear.gather [hbm4b:s1+s4], $0x80, $0x38;
	[tilespmem:$0x1C080] =	vst v63  }
0x18: {  	_ =	swait.ge [sflag:s7], $0x80  }
0x19: {  	[sflag:s7] =	ssyncset.done $0x0  }
0x1a: {  	[sflag:s7] =	ssyncadd.s32 $0xFFFFFF80  }
0x1b: {  	v0 =	vld [tilespmem:$0x1C000];
	_ =	sdelay $0x4  }
0x1c: {  	(v2sf) =	vpush v0, $0x0;
	_ =	sdelay $0xe  }
0x1d: {  	s5 =	spop (v2sf)  }
0x1e: {  	s13 =	sadd.s32 $0x1000, s5  }
0x1f: {  	p0 =	sge.s32 s6, s5;
	p1 =	slt.s32 s6, s13  }
0x20: {  	p0 =	por !p0, !p1  }
0x21: {  	s3 =	smov.u32 s5;
	p0 =	por !p0, !p0  }
0x22: {  	s3 =	simm.s32 @!p0 $0x0  }
0x23: {  	s8 =	rddreg [dreg:$0x6];
	s3 =	ssub.s32 s6, s3  }
0x24: {  	s21 =	smov.u32 s30;
	p2 =	slt.s32 s8, s13;
	s3 =	sshll.u32 s3, $0x9  }
0x25: {  	p1 =	sge.s32 s8, s5;
	s21 =	smov.u32 @p0 s2;
	s3 =	sand.u32 $0x1FFFF800, s3  }
0x26: {  	p0 =	por !p1, !p2;
	s3 =	sadd.s32 s21, s3  }
0x27: {  	[tilespmem:s4], [sflag:$0x1] =	stream.linear.gather [hbm4b:s3+s4], $0x4000, $0x38;
	[tilespmem:$0x1C080] =	vst v63  }
0x28: {  	p0 =	por !p0, !p0;
	s3 =	smov.u32 s5  }
0x29: {  	s3 =	simm.s32 @!p0 $0x0  }
0x2a: {  	s23 =	rddreg [dreg:$0x7];
	s3 =	ssub.s32 s8, s3  }
0x2b: {  	p3 =	sge.s32 s23, s5;
	s21 =	smov.u32 s30;
	s3 =	sshll.u32 s3, $0x9  }
0x2c: {  	p4 =	slt.s32 s23, s13;
	s21 =	smov.u32 @p0 s2;
	s3 =	sand.u32 $0x1FFFF800, s3  }
0x2d: {  	p0 =	por !p3, !p4;
	s3 =	sadd.s32 s21, s3;
	s21 =	simm.s32 $0x4000  }
0x2e: {  	[tilespmem:s21], [sflag:$0x2] =	stream.linear.gather [hbm4b:s3+s4], $0x4000, $0x38;
	[tilespmem:$0x1C080] =	vst v63  }
0x2f: {  	p0 =	por !p0, !p0;
	s3 =	smov.u32 s5  }
0x30: {  	s3 =	simm.s32 @!p0 $0x0  }
0x31: {  	s3 =	ssub.s32 s23, s3  }
0x32: {  	p5 =	sge.s32 s9, s5;
	s21 =	smov.u32 s30;
	s3 =	sshll.u32 s3, $0x9  }
0x33: {  	p6 =	slt.s32 s9, s13;
	s21 =	smov.u32 @p0 s2;
	s3 =	sand.u32 $0x1FFFF800, s3  }
0x34: {  	s24 =	simm.s32 $0x8000;
	p0 =	por !p5, !p6;
	s3 =	sadd.s32 s21, s3  }
0x35: {  	[tilespmem:s24], [sflag:$0x3] =	stream.linear.gather [hbm4b:s3+s4], $0x4000, $0x38;
	[tilespmem:$0x1C080] =	vst v63  }
0x36: {  	p0 =	por !p0, !p0;
	s3 =	smov.u32 s5  }
0x37: {  	s3 =	simm.s32 @!p0 $0x0  }
0x38: {  	s3 =	ssub.s32 s9, s3  }
0x39: {  	p1 =	sge.s32 s10, s5;
	s21 =	smov.u32 s30;
	s3 =	sshll.u32 s3, $0x9  }
0x3a: {  	p2 =	slt.s32 s10, s13;
	s21 =	smov.u32 @p0 s2;
	s3 =	sand.u32 $0x1FFFF800, s3  }
0x3b: {  	s25 =	simm.s32 $0xC000;
	p0 =	por !p1, !p2;
	s3 =	sadd.s32 s21, s3  }
0x3c: {  	[tilespmem:s25], [sflag:$0x4] =	stream.linear.gather [hbm4b:s3+s4], $0x4000, $0x38;
	[tilespmem:$0x1C080] =	vst v63  }
0x3d: {  	p0 =	por !p0, !p0;
	s3 =	smov.u32 s5  }
0x3e: {  	s3 =	simm.s32 @!p0 $0x0  }
0x3f: {  	s3 =	ssub.s32 s10, s3  }
0x40: {  	p3 =	sge.s32 s11, s5;
	s21 =	smov.u32 s30;
	s3 =	sshll.u32 s3, $0x9  }
0x41: {  	p4 =	slt.s32 s11, s13;
	s21 =	smov.u32 @p0 s2;
	s3 =	sand.u32 $0x1FFFF800, s3  }
0x42: {  	s26 =	simm.s32 $0x10000;
	p0 =	por !p3, !p4;
	s3 =	sadd.s32 s21, s3  }
0x43: {  	[tilespmem:s26], [sflag:$0x5] =	stream.linear.gather [hbm4b:s3+s4], $0x4000, $0x38;
	[tilespmem:$0x1C080] =	vst v63  }
0x44: {  	p0 =	por !p0, !p0;
	s3 =	smov.u32 s5  }
0x45: {  	s3 =	simm.s32 @!p0 $0x0  }
0x46: {  	s3 =	ssub.s32 s11, s3  }
0x47: {  	p5 =	sge.s32 s12, s5;
	s21 =	smov.u32 s30;
	s3 =	sshll.u32 s3, $0x9  }
0x48: {  	p6 =	slt.s32 s12, s13;
	s21 =	smov.u32 @p0 s2;
	s3 =	sand.u32 $0x1FFFF800, s3  }
0x49: {  	s28 =	simm.s32 $0x14000;
	p0 =	por !p5, !p6;
	s3 =	sadd.s32 s21, s3  }
0x4a: {  	[tilespmem:s28], [sflag:$0x6] =	stream.linear.gather [hbm4b:s3+s4], $0x4000, $0x38;
	[tilespmem:$0x1C080] =	vst v63  }
0x4b: {  	p0 =	por !p0, !p0;
	s3 =	smov.u32 s5  }
0x4c: {  	s3 =	simm.s32 @!p0 $0x0  }
0x4d: {  	s3 =	ssub.s32 s12, s3  }
0x4e: {  	s21 =	smov.u32 s30;
	s3 =	sshll.u32 s3, $0x9  }
0x4f: {  	s21 =	smov.u32 @p0 s2;
	s3 =	sand.u32 $0x1FFFF800, s3  }
0x50: {  	s29 =	simm.s32 $0x18000;
	s3 =	sadd.s32 s21, s3  }
0x51: {  	[tilespmem:s29], [sflag:$0x7] =	stream.linear.gather [hbm4b:s3+s4], $0x4000, $0x38;
	[tilespmem:$0x1C080] =	vst v63  }
0x52: {  	s24 =	simm.s32 $0x0;
	s21 =	rddreg [dreg:$0x9];
	s3 =	simm.s32 $0x0  }
.LBB2_2:
0x53: {  	_ =	swait.ge [sflag:s0], $0x4000  }
0x54: {  	[sflag:s0] =	ssyncset.done $0x0  }
0x55: {  	s23 =	sadd.s32 s24, s22;
	p0 =	seq.s32 s24, $0x1F800;
	[sflag:s0] =	ssyncadd.s32 $0xFFFFC000  }
0x56: {  	[hbm4b:s23+s4] =	stream.linear.scatter [tilespmem:s4], [sflag:$0x8], $0x4000, $0x38;
	[tilespmem:$0x1C080] =	vst v63  }
0x57: {  	s23 =	sadd.s32 @!p0 $0xFFFFFFE8, s21  }
0x58: {  	p1 =	sge.s32 @!p0 s23, s5;
	p2 =	slt.s32 @!p0 s23, s13  }
0x59: {  	p1 =	por @!p0 !p1, !p2  }
0x5a: {  	p1 =	por @!p0 !p1, !p1  }
0x5b: {  	s23 =	smov.u32 s5;
	p1 =	por !p1, p0  }
0x5c: {  	s23 =	simm.s32 @p1 $0x0  }
0x5d: {  	s25 =	sadd.s32 @!p0 s24, s20;
	s23 =	sshll.u32 @!p0 s23, $0x9  }
0x5e: {  	s26 =	simm.s32 @!p0 $0x8;
	s23 =	ssub.s32 @!p0 s25, s23  }
0x5f: {  	_ =	swait.ge @!p0 [sflag:s26], $0x4000;
	s25 =	smov.u32 s2;
	s23 =	sadd.s32 @!p0 $0x3800, s23  }
0x60: {  	[sflag:s26] =	ssyncset.done @!p0 $0x0;
	s25 =	smov.u32 @p1 s30;
	s23 =	sand.u32 @!p0 $0x1FFFF800, s23  }
0x61: {  	[sflag:s26] =	ssyncadd.s32 @!p0 $0xFFFFC000;
	s23 =	sadd.s32 @!p0 s25, s23;
	s25 =	simm.s32 @!p0 $0x0  }
0x62: {  	[tilespmem:s25], [sflag:$0x1] =	stream.linear.gather @!p0 [hbm4b:s23+s25], $0x4000, $0x38;
	[tilespmem:$0x1C080] =	vst v63  }
0x63: {  	s23 =	simm.s32 @!p0 $0x2  }
0x64: {  	_ =	swait.ge @!p0 [sflag:s23], $0x4000  }
0x65: {  	s26 =	simm.s32 @!p0 $0x4000;
	p1 =	sgt.u32 @!p0 s3, $0x7;
	[sflag:s23] =	ssyncset.done @!p0 $0x0  }
0x66: {  	p3 =	por !p1, p0;
	[sflag:s23] =	ssyncadd.s32 @!p0 $0xFFFFC000;
	s23 =	sadd.s32 @!p0 s24, s19  }
0x67: {  	[hbm4b:s23+s25] =	stream.linear.scatter @!p0 [tilespmem:s26], [sflag:$0x9], $0x4000, $0x38;
	[tilespmem:$0x1C080] =	vst v63  }
0x68: {  	s23 =	simm.s32 @!p3 $0x3  }
0x69: {  	_ =	swait.ge @!p3 [sflag:s23], $0x4000  }
0x6a: {  	p2 =	por p1, p0;
	s28 =	simm.s32 @!p3 $0x0;
	[sflag:s23] =	ssyncset.done @!p3 $0x0  }
0x6b: {  	s26 =	simm.s32 @!p3 $0x8000;
	[sflag:s23] =	ssyncadd.s32 @!p3 $0xFFFFC000;
	s23 =	sadd.s32 @!p3 s24, s16  }
0x6c: {  	[hbm4b:s23+s28] =	stream.linear.scatter @!p3 [tilespmem:s26], [sflag:$0xA], $0x4000, $0x38;
	[tilespmem:$0x1C080] =	vst v63  }
0x6d: {  	s23 =	sadd.s32 @!p2 $0xFFFFFFEC, s21  }
0x6e: {  	p4 =	sge.s32 @!p2 s23, s5;
	p5 =	slt.s32 @!p2 s23, s13  }
0x6f: {  	p4 =	por @!p2 !p4, !p5  }
0x70: {  	p4 =	por @!p2 !p4, !p4  }
0x71: {  	p4 =	por @!p0 !p4, p1  }
0x72: {  	s26 =	smov.u32 s5;
	p4 =	por !p4, p0  }
0x73: {  	s26 =	simm.s32 @!p4 $0x0  }
0x74: {  	s29 =	simm.s32 @!p2 $0x9;
	s23 =	sadd.s32 @!p2 s24, s20;
	s26 =	sshll.u32 @!p2 s26, $0x9  }
0x75: {  	_ =	swait.ge @!p2 [sflag:s29], $0x4000;
	s26 =	ssub.s32 @!p2 s23, s26  }
0x76: {  	s1 =	smov.u32 s30;
	[sflag:s29] =	ssyncset.done @!p2 $0x0;
	s26 =	sadd.s32 @!p2 $0x4000, s26  }
0x77: {  	[sflag:s29] =	ssyncadd.s32 @!p2 $0xFFFFC000;
	s1 =	smov.u32 @p4 s2;
	s26 =	sand.u32 @!p2 $0x1FFFF800, s26  }
0x78: {  	s29 =	simm.s32 @!p2 $0x4000;
	s1 =	sadd.s32 @!p2 s1, s26;
	s26 =	simm.s32 @!p2 $0x0  }
0x79: {  	[tilespmem:s29], [sflag:$0x2] =	stream.linear.gather @!p2 [hbm4b:s1+s26], $0x4000, $0x38;
	[tilespmem:$0x1C080] =	vst v63  }
0x7a: {  	s1 =	simm.s32 @!p2 $0x3  }
0x7b: {  	_ =	swait.ge @!p2 [sflag:s1], $0x4000  }
0x7c: {  	[sflag:s1] =	ssyncset.done @!p2 $0x0  }
0x7d: {  	s29 =	simm.s32 @!p2 $0x8000;
	[sflag:s1] =	ssyncadd.s32 @!p2 $0xFFFFC000;
	s1 =	sadd.s32 @!p2 s24, s16  }
0x7e: {  	[hbm4b:s1+s26] =	stream.linear.scatter @!p2 [tilespmem:s29], [sflag:$0xA], $0x4000, $0x38;
	[tilespmem:$0x1C080] =	vst v63  }
0x7f: {  	s1 =	sadd.s32 @!p2 $0xFFFFFFF0, s21  }
0x80: {  	p4 =	sge.s32 @!p2 s1, s5;
	p5 =	slt.s32 @!p2 s1, s13  }
0x81: {  	p4 =	por @!p2 !p4, !p5  }
0x82: {  	p5 =	por @!p2 !p4, !p4  }
0x83: {  	p4 =	por @!p0 !p5, p1  }
0x84: {  	s1 =	smov.u32 s5;
	p6 =	por !p4, p0  }
0x85: {  	s29 =	simm.s32 @!p2 $0xA;
	s1 =	simm.s32 @!p6 $0x0  }
0x86: {  	_ =	swait.ge @!p2 [sflag:s29], $0x4000;
	s1 =	sshll.u32 @!p2 s1, $0x9  }
0x87: {  	[sflag:s29] =	ssyncset.done @!p2 $0x0;
	s1 =	ssub.s32 @!p2 s23, s1  }
0x88: {  	[sflag:s29] =	ssyncadd.s32 @!p2 $0xFFFFC000;
	p5 =	por @!p0 p5, p1;
	s1 =	sadd.s32 @!p2 $0x4800, s1  }
0x89: {  	p5 =	por p5, p0;
	p4 =	por p4, p0;
	s1 =	sand.u32 @!p2 $0x1FFFF800, s1  }
0x8a: {  	s7 =	simm.s32 @!p5 $0x0;
	s8 =	simm.s32 @!p5 $0x8000;
	s29 =	sadd.s32 @!p5 s30, s1  }
0x8b: {  	[tilespmem:s8], [sflag:$0x3] =	stream.linear.gather @!p5 [hbm4b:s29+s7], $0x4000, $0x38;
	[tilespmem:$0x1C080] =	vst v63  }
0x8c: {  	s1 =	sadd.s32 @!p4 s2, s1;
	s7 =	simm.s32 @!p4 $0x0;
	s8 =	simm.s32 @!p4 $0x8000  }
0x8d: {  	[tilespmem:s8], [sflag:$0x3] =	stream.linear.gather @!p4 [hbm4b:s1+s7], $0x4000, $0x38;
	[tilespmem:$0x1C080] =	vst v63  }
0x8e: {  	s1 =	simm.s32 @!p0 $0x4  }
0x8f: {  	_ =	swait.ge @!p0 [sflag:s1], $0x4000  }
0x90: {  	[sflag:s1] =	ssyncset.done @!p0 $0x0  }
0x91: {  	s7 =	simm.s32 @!p0 $0xC000;
	[sflag:s1] =	ssyncadd.s32 @!p0 $0xFFFFC000;
	s1 =	sadd.s32 @!p0 s24, s18  }
0x92: {  	[hbm4b:s1+s25] =	stream.linear.scatter @!p0 [tilespmem:s7], [sflag:$0xB], $0x4000, $0x38;
	[tilespmem:$0x1C080] =	vst v63  }
0x93: {  	s1 =	simm.s32 @!p3 $0x5  }
0x94: {  	_ =	swait.ge @!p3 [sflag:s1], $0x4000  }
0x95: {  	[sflag:s1] =	ssyncset.done @!p3 $0x0  }
0x96: {  	s7 =	simm.s32 @!p3 $0x10000;
	[sflag:s1] =	ssyncadd.s32 @!p3 $0xFFFFC000;
	s1 =	sadd.s32 @!p3 s24, s15  }
0x97: {  	[hbm4b:s1+s28] =	stream.linear.scatter @!p3 [tilespmem:s7], [sflag:$0xC], $0x4000, $0x38;
	[tilespmem:$0x1C080] =	vst v63  }
0x98: {  	s1 =	sadd.s32 @!p2 $0xFFFFFFF4, s21  }
0x99: {  	p4 =	sge.s32 @!p2 s1, s5;
	p5 =	slt.s32 @!p2 s1, s13  }
0x9a: {  	p4 =	por @!p2 !p4, !p5  }
0x9b: {  	p4 =	por @!p2 !p4, !p4  }
0x9c: {  	p4 =	por @!p0 !p4, p1  }
0x9d: {  	s1 =	smov.u32 s5;
	p4 =	por !p4, p0  }
0x9e: {  	s1 =	simm.s32 @!p4 $0x0  }
0x9f: {  	s1 =	sshll.u32 @!p2 s1, $0x9  }
0xa0: {  	s7 =	simm.s32 @!p2 $0xB;
	s1 =	ssub.s32 @!p2 s23, s1  }
0xa1: {  	s8 =	smov.u32 s30;
	_ =	swait.ge @!p2 [sflag:s7], $0x4000;
	s1 =	sadd.s32 @!p2 $0x5000, s1  }
0xa2: {  	[sflag:s7] =	ssyncset.done @!p2 $0x0;
	s8 =	smov.u32 @p4 s2;
	s1 =	sand.u32 @!p2 $0x1FFFF800, s1  }
0xa3: {  	[sflag:s7] =	ssyncadd.s32 @!p2 $0xFFFFC000;
	s7 =	simm.s32 @!p2 $0xC000;
	s1 =	sadd.s32 @!p2 s8, s1  }
0xa4: {  	[tilespmem:s7], [sflag:$0x4] =	stream.linear.gather @!p2 [hbm4b:s1+s26], $0x4000, $0x38;
	[tilespmem:$0x1C080] =	vst v63  }
0xa5: {  	s1 =	simm.s32 @!p2 $0x5  }
0xa6: {  	_ =	swait.ge @!p2 [sflag:s1], $0x4000  }
0xa7: {  	[sflag:s1] =	ssyncset.done @!p2 $0x0  }
0xa8: {  	s7 =	simm.s32 @!p2 $0x10000;
	[sflag:s1] =	ssyncadd.s32 @!p2 $0xFFFFC000;
	s1 =	sadd.s32 @!p2 s24, s15  }
0xa9: {  	[hbm4b:s1+s26] =	stream.linear.scatter @!p2 [tilespmem:s7], [sflag:$0xC], $0x4000, $0x38;
	[tilespmem:$0x1C080] =	vst v63  }
0xaa: {  	s1 =	sadd.s32 @!p2 $0xFFFFFFF8, s21  }
0xab: {  	p4 =	sge.s32 @!p2 s1, s5;
	p5 =	slt.s32 @!p2 s1, s13  }
0xac: {  	p4 =	por @!p2 !p4, !p5  }
0xad: {  	p5 =	por @!p2 !p4, !p4  }
0xae: {  	p4 =	por @!p0 !p5, p1  }
0xaf: {  	s1 =	smov.u32 s5;
	p6 =	por !p4, p0  }
0xb0: {  	s7 =	simm.s32 @!p2 $0xC;
	s1 =	simm.s32 @!p6 $0x0  }
0xb1: {  	_ =	swait.ge @!p2 [sflag:s7], $0x4000;
	s1 =	sshll.u32 @!p2 s1, $0x9  }
0xb2: {  	[sflag:s7] =	ssyncset.done @!p2 $0x0;
	s1 =	ssub.s32 @!p2 s23, s1  }
0xb3: {  	[sflag:s7] =	ssyncadd.s32 @!p2 $0xFFFFC000;
	p5 =	por @!p0 p5, p1;
	s1 =	sadd.s32 @!p2 $0x5800, s1  }
0xb4: {  	p5 =	por p5, p0;
	p4 =	por p4, p0;
	s1 =	sand.u32 @!p2 $0x1FFFF800, s1  }
0xb5: {  	s8 =	simm.s32 @!p5 $0x0;
	s29 =	simm.s32 @!p5 $0x10000;
	s7 =	sadd.s32 @!p5 s30, s1  }
0xb6: {  	[tilespmem:s29], [sflag:$0x5] =	stream.linear.gather @!p5 [hbm4b:s7+s8], $0x4000, $0x38;
	[tilespmem:$0x1C080] =	vst v63  }
0xb7: {  	s1 =	sadd.s32 @!p4 s2, s1;
	s7 =	simm.s32 @!p4 $0x0;
	s8 =	simm.s32 @!p4 $0x10000  }
0xb8: {  	[tilespmem:s8], [sflag:$0x5] =	stream.linear.gather @!p4 [hbm4b:s1+s7], $0x4000, $0x38;
	[tilespmem:$0x1C080] =	vst v63  }
0xb9: {  	s1 =	simm.s32 @!p0 $0x6  }
0xba: {  	_ =	swait.ge @!p0 [sflag:s1], $0x4000  }
0xbb: {  	[sflag:s1] =	ssyncset.done @!p0 $0x0  }
0xbc: {  	s7 =	simm.s32 @!p0 $0x14000;
	[sflag:s1] =	ssyncadd.s32 @!p0 $0xFFFFC000;
	s1 =	sadd.s32 @!p0 s24, s17  }
0xbd: {  	[hbm4b:s1+s25] =	stream.linear.scatter @!p0 [tilespmem:s7], [sflag:$0xD], $0x4000, $0x38;
	[tilespmem:$0x1C080] =	vst v63  }
0xbe: {  	s1 =	simm.s32 @!p3 $0x7  }
0xbf: {  	_ =	swait.ge @!p3 [sflag:s1], $0x4000  }
0xc0: {  	[sflag:s1] =	ssyncset.done @!p3 $0x0  }
0xc1: {  	s7 =	simm.s32 @!p3 $0x18000;
	[sflag:s1] =	ssyncadd.s32 @!p3 $0xFFFFC000;
	s1 =	sadd.s32 @!p3 s24, s14  }
0xc2: {  	[hbm4b:s1+s28] =	stream.linear.scatter @!p3 [tilespmem:s7], [sflag:$0xE], $0x4000, $0x38;
	[tilespmem:$0x1C080] =	vst v63  }
0xc3: {  	s1 =	sadd.s32 @!p2 $0xFFFFFFFC, s21  }
0xc4: {  	p3 =	sge.s32 @!p2 s1, s5;
	p4 =	slt.s32 @!p2 s1, s13  }
0xc5: {  	p3 =	por @!p2 !p3, !p4  }
0xc6: {  	p3 =	por @!p2 !p3, !p3  }
0xc7: {  	p3 =	por @!p0 !p3, p1  }
0xc8: {  	s1 =	smov.u32 s5;
	p3 =	por !p3, p0  }
0xc9: {  	s1 =	simm.s32 @!p3 $0x0  }
0xca: {  	s7 =	simm.s32 @!p2 $0xD;
	s1 =	sshll.u32 @!p2 s1, $0x9  }
0xcb: {  	s8 =	smov.u32 s30;
	_ =	swait.ge @!p2 [sflag:s7], $0x4000;
	s1 =	ssub.s32 @!p2 s23, s1  }
0xcc: {  	[sflag:s7] =	ssyncset.done @!p2 $0x0;
	p4 =	slt.s32 @!p2 s21, s13;
	s1 =	sadd.s32 @!p2 $0x6000, s1  }
0xcd: {  	[sflag:s7] =	ssyncadd.s32 @!p2 $0xFFFFC000;
	s8 =	smov.u32 @p3 s2;
	s1 =	sand.u32 @!p2 $0x1FFFF800, s1  }
0xce: {  	s7 =	simm.s32 @!p2 $0x14000;
	p3 =	sge.s32 @!p2 s21, s5;
	s1 =	sadd.s32 @!p2 s8, s1  }
0xcf: {  	[tilespmem:s7], [sflag:$0x6] =	stream.linear.gather @!p2 [hbm4b:s1+s26], $0x4000, $0x38;
	[tilespmem:$0x1C080] =	vst v63  }
0xd0: {  	p3 =	por @!p2 !p3, !p4;
	s1 =	simm.s32 @!p2 $0x7  }
0xd1: {  	p4 =	por @!p2 !p3, !p3;
	_ =	swait.ge @!p2 [sflag:s1], $0x4000  }
0xd2: {  	p3 =	por @!p0 !p4, p1;
	[sflag:s1] =	ssyncset.done @!p2 $0x0  }
0xd3: {  	s7 =	simm.s32 @!p2 $0x18000;
	[sflag:s1] =	ssyncadd.s32 @!p2 $0xFFFFC000;
	s1 =	sadd.s32 @!p2 s24, s14  }
0xd4: {  	[hbm4b:s1+s26] =	stream.linear.scatter @!p2 [tilespmem:s7], [sflag:$0xE], $0x4000, $0x38;
	[tilespmem:$0x1C080] =	vst v63  }
0xd5: {  	p5 =	por !p3, p0;
	s1 =	smov.u32 s5  }
0xd6: {  	s1 =	simm.s32 @!p5 $0x0  }
0xd7: {  	s1 =	sshll.u32 @!p2 s1, $0x9  }
0xd8: {  	p1 =	por @!p0 p4, p1;
	s7 =	simm.s32 @!p2 $0xE;
	s1 =	ssub.s32 @!p2 s23, s1  }
0xd9: {  	p1 =	por p1, p0;
	_ =	swait.ge @!p2 [sflag:s7], $0x4000;
	s1 =	sadd.s32 @!p2 $0x6800, s1  }
0xda: {  	s8 =	simm.s32 @!p1 $0x0;
	[sflag:s7] =	ssyncset.done @!p2 $0x0;
	s1 =	sand.u32 @!p2 $0x1FFFF800, s1  }
0xdb: {  	[sflag:s7] =	ssyncadd.s32 @!p2 $0xFFFFC000;
	s23 =	simm.s32 @!p1 $0x18000;
	s7 =	sadd.s32 @!p1 s30, s1  }
0xdc: {  	[tilespmem:s23], [sflag:$0x7] =	stream.linear.gather @!p1 [hbm4b:s7+s8], $0x4000, $0x38;
	[tilespmem:$0x1C080] =	vst v63  }
0xdd: {  	s24 =	sadd.s32 @!p0 $0x3800, s24;
	p1 =	por p3, p0  }
0xde: {  	s1 =	sadd.s32 @!p1 s2, s1;
	s7 =	simm.s32 @!p1 $0x0;
	s8 =	simm.s32 @!p1 $0x18000  }
0xdf: {  	[tilespmem:s8], [sflag:$0x7] =	stream.linear.gather @!p1 [hbm4b:s1+s7], $0x4000, $0x38;
	[tilespmem:$0x1C080] =	vst v63  }
0xe0: {  	p1 =	sne.s32 @!p0 s24, $0x23000  }
0xe1: {  	p1 =	por p0, !p1  }
.Ltmp0:
0xe2: {  	_ = 	snop;
	(pc) =	sbr.rel @!p1 .LBB2_2-.Ltmp0, $2  }
0xe3: {  	_ =	sdelay $0x2  }
0xe4: {  	s3 =	sadd.s32 @!p0 $0x1, s3;
	s21 =	sadd.s32 @!p0 $0x1C, s21  }
0xe5: {  	s1 =	simm.s32 $0x8  }
0xe6: {  	_ =	swait.ge [sflag:s1], $0x4000  }
0xe7: {  	[sflag:s1] =	ssyncset.done $0x0  }
0xe8: {  	s23 =	simm.s32 $0x9;
	[sflag:s1] =	ssyncadd.s32 $0xFFFFC000  }
0xe9: {  	_ =	swait.ge [sflag:s23], $0x4000  }
0xea: {  	[sflag:s23] =	ssyncset.done $0x0  }
0xeb: {  	s24 =	simm.s32 $0xA;
	[sflag:s23] =	ssyncadd.s32 $0xFFFFC000  }
0xec: {  	_ =	swait.ge [sflag:s24], $0x4000  }
0xed: {  	[sflag:s24] =	ssyncset.done $0x0  }
0xee: {  	s25 =	simm.s32 $0xB;
	[sflag:s24] =	ssyncadd.s32 $0xFFFFC000  }
0xef: {  	_ =	swait.ge [sflag:s25], $0x4000  }
0xf0: {  	[sflag:s25] =	ssyncset.done $0x0  }
0xf1: {  	s26 =	simm.s32 $0xC;
	[sflag:s25] =	ssyncadd.s32 $0xFFFFC000  }
0xf2: {  	_ =	swait.ge [sflag:s26], $0x4000  }
0xf3: {  	[sflag:s26] =	ssyncset.done $0x0  }
0xf4: {  	s28 =	simm.s32 $0xD;
	[sflag:s26] =	ssyncadd.s32 $0xFFFFC000  }
0xf5: {  	_ =	swait.ge [sflag:s28], $0x4000  }
0xf6: {  	[sflag:s28] =	ssyncset.done $0x0  }
0xf7: {  	s3 =	simm.s32 $0xE;
	[sflag:s28] =	ssyncadd.s32 $0xFFFFC000  }
0xf8: {  	_ =	swait.ge [sflag:s3], $0x4000  }
0xf9: {  	s31 =	sadd.s32 $0x1, s31;
	s29 =	rddreg [dreg:$0x8]  }
0xfa: {  	p0 =	sne.s32 s31, s29  }
.Ltmp1:
0xfb: {  	_ = 	snop;
	(pc) =	sbr.rel @p0 .LBB2_1-.Ltmp1, $3  }
0xfc: {  	_ =	sdelay $0x1  }
0xfd: {  	[sflag:s3] =	ssyncset.done $0x0  }
0xfe: {  	[sflag:s3] =	ssyncadd.s32 $0xFFFFC000  }
0xff: {  	_ =	sfence.sel $0x180000  }
0x100: {  	[bflag:$0x0] =	sbarrier.arrive $0xFFFF  }
0x101: {  	_ =	strace $0x90000047  }
0x102: {  	s0 =	stileid.u32;
	[bflag:$0x2] =	sbarrier.arrive $0xFFFF  }
0x103: {  	p0 =	sne.s32 s0, $0x0;
	s0 =	rddreg [dreg:$0x4]  }
0x104: {  	s0 =	sadd.s32 @!p0 $0x100000, s0  }
0x105: {  	[sflag:s0] =	ssyncadd.tile.s32 @!p0 $0x1;
	_ =	shalt  }
.Lfunc_end2:
_tile_overlayer_lowered:
.L_overlay_start_2:
0x106: {  	(tag) =	ssettag $0x2  }
0x107: {  	s0 =	rddreg [dreg:$0x0];
	s2 =	stileid.u32  }
0x108: {  	s1 =	rddreg [dreg:$0x1];
	p0 =	sne.s32 s2, $0x0  }
0x109: {  	s3 =	rddreg [dreg:$0x2];
	[bflag:$0x3] =	sbarrier.arrive $0xFFFF;
	s2 =	simm.s32 @!p0 $0x1C10  }
0x10a: {  	[timem:s3], [sflag:s2] =	dma.local @!p0 [hbm:s0], s1  }
0x10b: {  	s0 =	simm.s32 @!p0 $0x10  }
0x10c: {  	_ =	swait.ge @!p0 [sflag:s0], s1  }
0x10d: {  	s1 =	ssub.s32 @!p0 $0x0, s1;
	[sflag:s0] =	ssyncset.done @!p0 $0x0  }
0x10e: {  	[sflag:s0] =	ssyncadd.s32 @!p0 s1  }
0x10f: {  	[bflag:$0x3] =	sbarrier.arrive $0xFFFF  }
0x110: {  	_ =	shalt  }

</sc_bundles>
